<compile_context>
chip_gen: v7x
topology: tpu7x:2x2x1
jax: 0.10.2.dev20260603
libtpu: 0.0.44.dev20260713+nightly
codegen_flags: <defaults>
</compile_context>

<pallas_src>
import jax
import jax.numpy as jnp
from jax import lax
from jax.experimental import pallas as pl
from jax.experimental.pallas import tpu as pltpu
from jax.experimental.pallas import tpu_sc as plsc

B = 16384
D_DRV, D_WEEK, D_TIME = 16, 3, 8
D_OUT = D_DRV + D_WEEK + D_TIME + 1
V_DRV, V_TIME = 24000, 1440
TJ_DRV = 188
TJ_TM = 12

DIST_MEAN = 10.0
DIST_STD = 5.0


def _body(drv_idx_hbm, wk_idx_hbm, tm_idx_hbm, dist_hbm,
          drv_tab_hbm, tm_tab_hbm, out_hbm,
          tab_v, idx_v, val_v, out_v, sem):
    wid = lax.axis_index("s") * 2 + lax.axis_index("c")

    def gather_loop(off):
        @plsc.parallel_loop(0, B, step=16, unroll=8)
        def _(i):
            idx = idx_v[pl.ds(i, 16)] + off
            out_v[i // 128, pl.ds(i % 128, 16)] = plsc.load_gather(
                tab_v, [lax.shift_right_logical(idx, 7),
                        lax.bitwise_and(idx, 127)])

    @pl.when(wid < D_DRV)
    def _():
        c1 = pltpu.async_copy(
            drv_tab_hbm.at[wid // 8, :, wid % 8, :], tab_v, sem)
        c2 = pltpu.async_copy(drv_idx_hbm, idx_v, sem)
        c1.wait()
        c2.wait()
        gather_loop(0)

    @pl.when(jnp.logical_and(wid >= D_DRV, wid < D_DRV + D_WEEK))
    def _():
        c1 = pltpu.async_copy(
            tm_tab_hbm.at[0, :, wid - D_DRV, :],
            tab_v.at[pl.ds(0, TJ_TM), :], sem)
        c2 = pltpu.async_copy(wk_idx_hbm, idx_v, sem)
        c1.wait()
        c2.wait()
        gather_loop(V_TIME)

    @pl.when(jnp.logical_and(wid >= D_DRV + D_WEEK, wid < D_OUT - 1))
    def _():
        c1 = pltpu.async_copy(
            tm_tab_hbm.at[0, :, wid - (D_DRV + D_WEEK), :],
            tab_v.at[pl.ds(0, TJ_TM), :], sem)
        c2 = pltpu.async_copy(tm_idx_hbm, idx_v, sem)
        c1.wait()
        c2.wait()
        gather_loop(0)

    @pl.when(wid == D_OUT - 1)
    def _():
        pltpu.async_copy(dist_hbm, val_v, sem).wait()

        @plsc.parallel_loop(0, B, step=16, unroll=8)
        def _(i):
            dv = val_v[pl.ds(i, 16)]
            out_v[i // 128, pl.ds(i % 128, 16)] = (
                dv * (1.0 / DIST_STD) - (DIST_MEAN / DIST_STD))

    @pl.when(wid < D_OUT)
    def _():
        pltpu.sync_copy(out_v, out_hbm.at[wid // 8, :, wid % 8, :])


def _tileblock(t, tj):
    f, v = t.shape
    fp = -(-f // 8) * 8
    t = jnp.pad(t, ((0, fp - f), (0, tj * 128 - v)))
    return t.reshape(fp // 8, 8, tj, 128).transpose(0, 2, 1, 3)


@jax.jit
def kernel(driverID, weekID, timeID, dist, driver_em, week_em, time_em):
    tm_plus = jnp.pad(time_em.T, ((0, 0), (0, 96)))
    tm_plus = lax.dynamic_update_slice(tm_plus, week_em.T, (0, V_TIME))
    mesh = plsc.VectorSubcoreMesh(core_axis_name="c", subcore_axis_name="s")
    k = pl.kernel(
        _body,
        out_type=jax.ShapeDtypeStruct((4, 128, 8, 128), jnp.float32),
        mesh=mesh,
        compiler_params=pltpu.CompilerParams(
            needs_layout_passes=False, use_tc_tiling_on_sc=False),
        scratch_types=[
            pltpu.VMEM((TJ_DRV, 128), jnp.float32),
            pltpu.VMEM((B,), jnp.int32),
            pltpu.VMEM((B,), jnp.float32),
            pltpu.VMEM((128, 128), jnp.float32),
            pltpu.SemaphoreType.DMA,
        ],
    )
    out4 = k(driverID, weekID, timeID, dist,
             _tileblock(driver_em.T, TJ_DRV),
             tm_plus.reshape(1, 8, TJ_TM, 128).transpose(0, 2, 1, 3))
    out_t = out4.transpose(0, 2, 1, 3).reshape(32, B)
    return out_t[:D_OUT].T

# --- scband reference (transcript-rebuilt; emitter-appended) ---
"""Pipeline reference for scband-attr-net-80418967651044 (READ-ONLY COPY).

The authoritative reference and input builder live on the scoring server;
editing this copy changes nothing except your own understanding.
"""

import jax, jax.numpy as jnp
import numpy as np

# utils.normalize(dist, 'dist') in the original repo standardizes with dataset stats;
# we use fixed constants here.
DIST_MEAN = 10.0
DIST_STD = 5.0

B = 16384
EMBED_DIMS = [("driverID", 24000, 16), ("weekID", 7, 3), ("timeID", 1440, 8)]


def setup_inputs(seed: int = 0) -> dict:
    key = jax.random.key(seed)
    k1, k2, k3, k4, k5, k6, k7 = jax.random.split(key, 7)
    return {
        "driverID": jax.random.randint(k1, (B,), 0, 24000, dtype=jnp.int32),
        "weekID": jax.random.randint(k2, (B,), 0, 7, dtype=jnp.int32),
        "timeID": jax.random.randint(k3, (B,), 0, 1440, dtype=jnp.int32),
        "dist": jax.random.uniform(k4, (B,), dtype=jnp.float32),
        "driver_em": jax.random.normal(k5, (24000, 16), dtype=jnp.float32),
        "week_em": jax.random.normal(k6, (7, 3), dtype=jnp.float32),
        "time_em": jax.random.normal(k7, (1440, 8), dtype=jnp.float32),
    }


def reference(driverID, weekID, timeID, dist, driver_em, week_em, time_em):
    # attr[name].view(-1,1) -> embedding -> squeeze  ==  table[idx]
    d = jnp.take(driver_em, driverID, axis=0)   # [B, 16]
    w = jnp.take(week_em, weekID, axis=0)       # [B, 3]
    t = jnp.take(time_em, timeID, axis=0)       # [B, 8]
    dn = ((dist - DIST_MEAN) / DIST_STD).reshape(-1, 1)  # [B, 1]
    return jnp.concatenate([d, w, t, dn], axis=1)  # [B, 28]

if __name__ == "__main__":
    import jax
    _d = setup_inputs()
    print(jax.jit(kernel)(*tuple(_d.values())))

</pallas_src>

<mosaic_0001>
#map = affine_map<(d0, d1) -> (0)>
#map1 = affine_map<(d0, d1) -> (0, 0, 0, 0)>
module attributes {stable_mosaic.version = 14 : i64} {
  func.func @_body(%arg0: i32, %arg1: i32, %arg2: memref<16384xi32, #tpu.memory_space<hbm>>, %arg3: memref<16384xi32, #tpu.memory_space<hbm>>, %arg4: memref<16384xi32, #tpu.memory_space<hbm>>, %arg5: memref<16384xf32, #tpu.memory_space<hbm>>, %arg6: memref<2x188x8x128xf32, #tpu.memory_space<hbm>>, %arg7: memref<1x12x8x128xf32, #tpu.memory_space<hbm>>, %arg8: memref<4x128x8x128xf32, #tpu.memory_space<hbm>>, %arg9: memref<188x128xf32, #tpu.memory_space<vmem>>, %arg10: memref<16384xi32, #tpu.memory_space<vmem>>, %arg11: memref<16384xf32, #tpu.memory_space<vmem>>, %arg12: memref<128x128xf32, #tpu.memory_space<vmem>>, %arg13: memref<!tpu.dma_semaphore, #tpu.memory_space<semaphore_mem>>) attributes {dimension_semantics = [#tpu.dimension_semantics<core_parallel>, #tpu.dimension_semantics<subcore_parallel>], iteration_bounds = array<i64: 2, 16>, scalar_prefetch = 0 : i64, scratch_operands = 5 : i64, tpu.core_type = #tpu.core_type<sc_vector_subcore>, window_params = [{transform_indices = #map}, {transform_indices = #map}, {transform_indices = #map}, {transform_indices = #map}, {transform_indices = #map1}, {transform_indices = #map1}, {transform_indices = #map1}]} {
    %mul3A = arith.constant 2 : i32
    %mul3A_0 = arith.muli %arg1, %mul3A : i32
    %add3A = arith.addi %mul3A_0, %arg0 : i32
    %lt3A = arith.constant 16 : i32
    %lt3A_1 = arith.cmpi slt, %add3A, %lt3A : i32
    %convert_element_type3A = arith.extui %lt3A_1 : i1 to i32
    %cond3A = arith.constant 0 : i32
    %cond3A_2 = arith.cmpi ne, %convert_element_type3A, %cond3A : i32
    scf.if %cond3A_2 {
      %jit3A = arith.constant 8 : i32
      %div3A = arith.divsi %add3A, %jit3A : i32
      %sign3A = arith.constant 0 : i32
      %sign3A_26 = arith.cmpi sgt, %add3A, %sign3A : i32
      %sign3A_27 = arith.extui %sign3A_26 : i1 to i32
      %sign3A_28 = arith.constant 0 : i32
      %sign3A_29 = arith.cmpi slt, %add3A, %sign3A_28 : i32
      %sign3A_30 = arith.extui %sign3A_29 : i1 to i32
      %sign3A_31 = arith.subi %sign3A_27, %sign3A_30 : i32
      %sign3A_32 = arith.constant 0 : i32
      %sign3A_33 = arith.cmpi sgt, %jit3A, %sign3A_32 : i32
      %sign3A_34 = arith.extui %sign3A_33 : i1 to i32
      %sign3A_35 = arith.constant 0 : i32
      %sign3A_36 = arith.cmpi slt, %jit3A, %sign3A_35 : i32
      %sign3A_37 = arith.extui %sign3A_36 : i1 to i32
      %sign3A_38 = arith.subi %sign3A_34, %sign3A_37 : i32
      %ne3A = arith.cmpi ne, %sign3A_31, %sign3A_38 : i32
      %rem3A = arith.remsi %add3A, %jit3A : i32
      %ne3A_39 = arith.constant 0 : i32
      %ne3A_40 = arith.cmpi ne, %rem3A, %ne3A_39 : i32
      %and3A_41 = arith.andi %ne3A, %ne3A_40 : i1
      %sub3A = arith.constant 1 : i32
      %sub3A_42 = arith.subi %div3A, %sub3A : i32
      %select_n3A = arith.select %and3A_41, %sub3A_42, %div3A : i32
      %jit3A_43 = arith.constant 8 : i32
      %eq3A_44 = arith.constant 0 : i32
      %eq3A_45 = arith.cmpi eq, %jit3A_43, %eq3A_44 : i32
      %jit3A_46 = arith.constant 1 : i32
      %select_n3A_47 = arith.select %eq3A_45, %jit3A_46, %jit3A_43 : i32
      %rem3A_48 = arith.remsi %add3A, %select_n3A_47 : i32
      %ne3A_49 = arith.constant 0 : i32
      %ne3A_50 = arith.cmpi ne, %rem3A_48, %ne3A_49 : i32
      %lt3A_51 = arith.constant 0 : i32
      %lt3A_52 = arith.cmpi slt, %rem3A_48, %lt3A_51 : i32
      %lt3A_53 = arith.constant 0 : i32
      %lt3A_54 = arith.cmpi slt, %select_n3A_47, %lt3A_53 : i32
      %ne3A_55 = arith.xori %lt3A_52, %lt3A_54 : i1
      %and3A_56 = arith.andi %ne3A_55, %ne3A_50 : i1
      %add3A_57 = arith.addi %rem3A_48, %select_n3A_47 : i32
      %select_n3A_58 = arith.select %and3A_56, %add3A_57, %rem3A_48 : i32
      %dma_start3A = arith.constant 0 : i32
      %dma_start3A_59 = arith.constant 0 : i32
      %dma_start3A_60 = tpu.memref_slice %arg6[%select_n3A, %dma_start3A, %select_n3A_58, %dma_start3A_59] : memref<2x188x8x128xf32, #tpu.memory_space<hbm>> -> memref<1x188x1x128xf32, #tpu.memory_space<hbm>>
      %dma_start3A_61 = tpu.memref_squeeze %dma_start3A_60 : memref<1x188x1x128xf32, #tpu.memory_space<hbm>> -> memref<188x128xf32, #tpu.memory_space<hbm>>
      %dma_start3A_62 = arith.constant 0 : i32
      %dma_start3A_63 = arith.constant 0 : i32
      %dma_start3A_64 = tpu.memref_slice %arg6[%select_n3A, %dma_start3A_62, %select_n3A_58, %dma_start3A_63] : memref<2x188x8x128xf32, #tpu.memory_space<hbm>> -> memref<1x188x1x128xf32, #tpu.memory_space<hbm>>
      %dma_start3A_65 = tpu.memref_squeeze %dma_start3A_64 : memref<1x188x1x128xf32, #tpu.memory_space<hbm>> -> memref<188x128xf32, #tpu.memory_space<hbm>>
      tpu.enqueue_dma source(%dma_start3A_65 : memref<188x128xf32, #tpu.memory_space<hbm>>) target(%arg9 : memref<188x128xf32, #tpu.memory_space<vmem>>) target_semaphore(%arg13 : memref<!tpu.dma_semaphore, #tpu.memory_space<semaphore_mem>>)
      tpu.enqueue_dma source(%arg2 : memref<16384xi32, #tpu.memory_space<hbm>>) target(%arg10 : memref<16384xi32, #tpu.memory_space<vmem>>) target_semaphore(%arg13 : memref<!tpu.dma_semaphore, #tpu.memory_space<semaphore_mem>>)
      %dma_wait3A = arith.constant 0 : i32
      %dma_wait3A_66 = arith.constant 0 : i32
      %dma_wait3A_67 = tpu.memref_slice %arg6[%select_n3A, %dma_wait3A, %select_n3A_58, %dma_wait3A_66] : memref<2x188x8x128xf32, #tpu.memory_space<hbm>> -> memref<1x188x1x128xf32, #tpu.memory_space<hbm>>
      %dma_wait3A_68 = tpu.memref_squeeze %dma_wait3A_67 : memref<1x188x1x128xf32, #tpu.memory_space<hbm>> -> memref<188x128xf32, #tpu.memory_space<hbm>>
      %dma_wait3A_69 = arith.constant 0 : i32
      %dma_wait3A_70 = arith.constant 0 : i32
      %dma_wait3A_71 = tpu.memref_slice %arg6[%select_n3A, %dma_wait3A_69, %select_n3A_58, %dma_wait3A_70] : memref<2x188x8x128xf32, #tpu.memory_space<hbm>> -> memref<1x188x1x128xf32, #tpu.memory_space<hbm>>
      %dma_wait3A_72 = tpu.memref_squeeze %dma_wait3A_71 : memref<1x188x1x128xf32, #tpu.memory_space<hbm>> -> memref<188x128xf32, #tpu.memory_space<hbm>>
      tpu.wait_dma2 semaphore(%arg13 : memref<!tpu.dma_semaphore, #tpu.memory_space<semaphore_mem>>) src(%dma_wait3A_72 : memref<188x128xf32, #tpu.memory_space<hbm>>) dst(%arg9 : memref<188x128xf32, #tpu.memory_space<vmem>>)
      tpu.wait_dma2 semaphore(%arg13 : memref<!tpu.dma_semaphore, #tpu.memory_space<semaphore_mem>>) src(%arg2 : memref<16384xi32, #tpu.memory_space<hbm>>) dst(%arg10 : memref<16384xi32, #tpu.memory_space<vmem>>)
      %parallel_loop3A = arith.constant 0 : i32
      %parallel_loop3A_73 = arith.constant 16384 : i32
      %parallel_loop3A_74 = arith.constant 16 : i32
      scf.for %parallel_loop3A_75 = %parallel_loop3A to %parallel_loop3A_73 step %parallel_loop3A_74  : i32 {
        %parallel_loop3A_76 = arith.index_cast %parallel_loop3A_75 : i32 to index
        %parallel_loop3A_77 = tpu.vector_load %arg10[%parallel_loop3A_76] {strides = array<i32>} : memref<16384xi32, #tpu.memory_space<vmem>>, vector<16xi32>,
        %parallel_loop3A_78 = arith.constant 0 : i32
        %parallel_loop3A_79 = vector.broadcast %parallel_loop3A_78 : i32 to vector<16xi32>
        %parallel_loop3A_80 = arith.addi %parallel_loop3A_77, %parallel_loop3A_79 : vector<16xi32>
        %parallel_loop3A_81 = arith.constant 7 : i32
        %parallel_loop3A_82 = vector.broadcast %parallel_loop3A_81 : i32 to vector<16xi32>
        %parallel_loop3A_83 = arith.shrui %parallel_loop3A_80, %parallel_loop3A_82 : vector<16xi32>
        %parallel_loop3A_84 = arith.constant 127 : i32
        %parallel_loop3A_85 = vector.broadcast %parallel_loop3A_84 : i32 to vector<16xi32>
        %parallel_loop3A_86 = arith.andi %parallel_loop3A_80, %parallel_loop3A_85 : vector<16xi32>
        %parallel_loop3A_87 = tpu.vector_load_idx %arg9[%parallel_loop3A_83, %parallel_loop3A_86] : memref<188x128xf32, #tpu.memory_space<vmem>>[vector<16xi32>, vector<16xi32>], vector<16xf32>,
        %parallel_loop3A_88 = arith.constant 128 : i32
        %parallel_loop3A_89 = arith.divsi %parallel_loop3A_75, %parallel_loop3A_88 : i32
        %parallel_loop3A_90 = arith.constant 0 : i32
        %parallel_loop3A_91 = arith.cmpi sgt, %parallel_loop3A_75, %parallel_loop3A_90 : i32
        %parallel_loop3A_92 = arith.extui %parallel_loop3A_91 : i1 to i32
        %parallel_loop3A_93 = arith.constant 0 : i32
        %parallel_loop3A_94 = arith.cmpi slt, %parallel_loop3A_75, %parallel_loop3A_93 : i32
        %parallel_loop3A_95 = arith.extui %parallel_loop3A_94 : i1 to i32
        %parallel_loop3A_96 = arith.subi %parallel_loop3A_92, %parallel_loop3A_95 : i32
        %parallel_loop3A_97 = arith.constant 0 : i32
        %parallel_loop3A_98 = arith.cmpi sgt, %parallel_loop3A_88, %parallel_loop3A_97 : i32
        %parallel_loop3A_99 = arith.extui %parallel_loop3A_98 : i1 to i32
        %parallel_loop3A_100 = arith.constant 0 : i32
        %parallel_loop3A_101 = arith.cmpi slt, %parallel_loop3A_88, %parallel_loop3A_100 : i32
        %parallel_loop3A_102 = arith.extui %parallel_loop3A_101 : i1 to i32
        %parallel_loop3A_103 = arith.subi %parallel_loop3A_99, %parallel_loop3A_102 : i32
        %parallel_loop3A_104 = arith.cmpi ne, %parallel_loop3A_96, %parallel_loop3A_103 : i32
        %parallel_loop3A_105 = arith.remsi %parallel_loop3A_75, %parallel_loop3A_88 : i32
        %parallel_loop3A_106 = arith.constant 0 : i32
        %parallel_loop3A_107 = arith.cmpi ne, %parallel_loop3A_105, %parallel_loop3A_106 : i32
        %parallel_loop3A_108 = arith.andi %parallel_loop3A_104, %parallel_loop3A_107 : i1
        %parallel_loop3A_109 = arith.constant 1 : i32
        %parallel_loop3A_110 = arith.subi %parallel_loop3A_89, %parallel_loop3A_109 : i32
        %parallel_loop3A_111 = arith.select %parallel_loop3A_108, %parallel_loop3A_110, %parallel_loop3A_89 : i32
        %parallel_loop3A_112 = arith.constant 128 : i32
        %parallel_loop3A_113 = arith.constant 0 : i32
        %parallel_loop3A_114 = arith.cmpi eq, %parallel_loop3A_112, %parallel_loop3A_113 : i32
        %parallel_loop3A_115 = arith.constant 1 : i32
        %parallel_loop3A_116 = arith.select %parallel_loop3A_114, %parallel_loop3A_115, %parallel_loop3A_112 : i32
        %parallel_loop3A_117 = arith.remsi %parallel_loop3A_75, %parallel_loop3A_116 : i32
        %parallel_loop3A_118 = arith.constant 0 : i32
        %parallel_loop3A_119 = arith.cmpi ne, %parallel_loop3A_117, %parallel_loop3A_118 : i32
        %parallel_loop3A_120 = arith.constant 0 : i32
        %parallel_loop3A_121 = arith.cmpi slt, %parallel_loop3A_117, %parallel_loop3A_120 : i32
        %parallel_loop3A_122 = arith.constant 0 : i32
        %parallel_loop3A_123 = arith.cmpi slt, %parallel_loop3A_116, %parallel_loop3A_122 : i32
        %parallel_loop3A_124 = arith.xori %parallel_loop3A_121, %parallel_loop3A_123 : i1
        %parallel_loop3A_125 = arith.andi %parallel_loop3A_124, %parallel_loop3A_119 : i1
        %parallel_loop3A_126 = arith.addi %parallel_loop3A_117, %parallel_loop3A_116 : i32
        %parallel_loop3A_127 = arith.select %parallel_loop3A_125, %parallel_loop3A_126, %parallel_loop3A_117 : i32
        %parallel_loop3A_128 = arith.index_cast %parallel_loop3A_111 : i32 to index
        %parallel_loop3A_129 = arith.index_cast %parallel_loop3A_127 : i32 to index
        %parallel_loop3A_130 = tpu.vector_load %arg12[%parallel_loop3A_128, %parallel_loop3A_129] {strides = array<i32>} : memref<128x128xf32, #tpu.memory_space<vmem>>, vector<16xf32>,
        tpu.vector_store %arg12[%parallel_loop3A_128, %parallel_loop3A_129], %parallel_loop3A_87 {strides = array<i32>} : memref<128x128xf32, #tpu.memory_space<vmem>>, vector<16xf32>,
      } {sc.loop_unroll_factor = 8 : i64, sc.parallel_access}
    } else {
    }
    %ge3A = arith.constant 16 : i32
    %ge3A_3 = arith.cmpi sge, %add3A, %ge3A : i32
    %lt3A_4 = arith.constant 19 : i32
    %lt3A_5 = arith.cmpi slt, %add3A, %lt3A_4 : i32
    %and3A = arith.andi %ge3A_3, %lt3A_5 : i1
    %convert_element_type3A_6 = arith.extui %and3A : i1 to i32
    %cond3A_7 = arith.constant 0 : i32
    %cond3A_8 = arith.cmpi ne, %convert_element_type3A_6, %cond3A_7 : i32
    scf.if %cond3A_8 {
      %sub3A = arith.constant 16 : i32
      %sub3A_26 = arith.subi %add3A, %sub3A : i32
      %dma_start3A = arith.constant 0 : i32
      %dma_start3A_27 = arith.constant 0 : i32
      %dma_start3A_28 = arith.constant 0 : i32
      %dma_start3A_29 = tpu.memref_slice %arg9[%dma_start3A_27, %dma_start3A_28] : memref<188x128xf32, #tpu.memory_space<vmem>> -> memref<12x128xf32, #tpu.memory_space<vmem>>
      %dma_start3A_30 = arith.constant 0 : i32
      %dma_start3A_31 = arith.constant 0 : i32
      %dma_start3A_32 = tpu.memref_slice %arg7[%dma_start3A, %dma_start3A_30, %sub3A_26, %dma_start3A_31] : memref<1x12x8x128xf32, #tpu.memory_space<hbm>> -> memref<1x12x1x128xf32, #tpu.memory_space<hbm>>
      %dma_start3A_33 = tpu.memref_squeeze %dma_start3A_32 : memref<1x12x1x128xf32, #tpu.memory_space<hbm>> -> memref<12x128xf32, #tpu.memory_space<hbm>>
      %dma_start3A_34 = arith.constant 0 : i32
      %dma_start3A_35 = arith.constant 0 : i32
      %dma_start3A_36 = tpu.memref_slice %arg9[%dma_start3A_34, %dma_start3A_35] : memref<188x128xf32, #tpu.memory_space<vmem>> -> memref<12x128xf32, #tpu.memory_space<vmem>>
      %dma_start3A_37 = arith.constant 0 : i32
      %dma_start3A_38 = arith.constant 0 : i32
      %dma_start3A_39 = tpu.memref_slice %arg7[%dma_start3A, %dma_start3A_37, %sub3A_26, %dma_start3A_38] : memref<1x12x8x128xf32, #tpu.memory_space<hbm>> -> memref<1x12x1x128xf32, #tpu.memory_space<hbm>>
      %dma_start3A_40 = tpu.memref_squeeze %dma_start3A_39 : memref<1x12x1x128xf32, #tpu.memory_space<hbm>> -> memref<12x128xf32, #tpu.memory_space<hbm>>
      tpu.enqueue_dma source(%dma_start3A_40 : memref<12x128xf32, #tpu.memory_space<hbm>>) target(%dma_start3A_36 : memref<12x128xf32, #tpu.memory_space<vmem>>) target_semaphore(%arg13 : memref<!tpu.dma_semaphore, #tpu.memory_space<semaphore_mem>>)
      tpu.enqueue_dma source(%arg3 : memref<16384xi32, #tpu.memory_space<hbm>>) target(%arg10 : memref<16384xi32, #tpu.memory_space<vmem>>) target_semaphore(%arg13 : memref<!tpu.dma_semaphore, #tpu.memory_space<semaphore_mem>>)
      %dma_wait3A = arith.constant 0 : i32
      %dma_wait3A_41 = arith.constant 0 : i32
      %dma_wait3A_42 = arith.constant 0 : i32
      %dma_wait3A_43 = tpu.memref_slice %arg9[%dma_wait3A_41, %dma_wait3A_42] : memref<188x128xf32, #tpu.memory_space<vmem>> -> memref<12x128xf32, #tpu.memory_space<vmem>>
      %dma_wait3A_44 = arith.constant 0 : i32
      %dma_wait3A_45 = arith.constant 0 : i32
      %dma_wait3A_46 = tpu.memref_slice %arg7[%dma_wait3A, %dma_wait3A_44, %sub3A_26, %dma_wait3A_45] : memref<1x12x8x128xf32, #tpu.memory_space<hbm>> -> memref<1x12x1x128xf32, #tpu.memory_space<hbm>>
      %dma_wait3A_47 = tpu.memref_squeeze %dma_wait3A_46 : memref<1x12x1x128xf32, #tpu.memory_space<hbm>> -> memref<12x128xf32, #tpu.memory_space<hbm>>
      %dma_wait3A_48 = arith.constant 0 : i32
      %dma_wait3A_49 = arith.constant 0 : i32
      %dma_wait3A_50 = tpu.memref_slice %arg9[%dma_wait3A_48, %dma_wait3A_49] : memref<188x128xf32, #tpu.memory_space<vmem>> -> memref<12x128xf32, #tpu.memory_space<vmem>>
      %dma_wait3A_51 = arith.constant 0 : i32
      %dma_wait3A_52 = arith.constant 0 : i32
      %dma_wait3A_53 = tpu.memref_slice %arg7[%dma_wait3A, %dma_wait3A_51, %sub3A_26, %dma_wait3A_52] : memref<1x12x8x128xf32, #tpu.memory_space<hbm>> -> memref<1x12x1x128xf32, #tpu.memory_space<hbm>>
      %dma_wait3A_54 = tpu.memref_squeeze %dma_wait3A_53 : memref<1x12x1x128xf32, #tpu.memory_space<hbm>> -> memref<12x128xf32, #tpu.memory_space<hbm>>
      tpu.wait_dma2 semaphore(%arg13 : memref<!tpu.dma_semaphore, #tpu.memory_space<semaphore_mem>>) src(%dma_wait3A_54 : memref<12x128xf32, #tpu.memory_space<hbm>>) dst(%dma_wait3A_50 : memref<12x128xf32, #tpu.memory_space<vmem>>)
      tpu.wait_dma2 semaphore(%arg13 : memref<!tpu.dma_semaphore, #tpu.memory_space<semaphore_mem>>) src(%arg3 : memref<16384xi32, #tpu.memory_space<hbm>>) dst(%arg10 : memref<16384xi32, #tpu.memory_space<vmem>>)
      %parallel_loop3A = arith.constant 0 : i32
      %parallel_loop3A_55 = arith.constant 16384 : i32
      %parallel_loop3A_56 = arith.constant 16 : i32
      scf.for %parallel_loop3A_57 = %parallel_loop3A to %parallel_loop3A_55 step %parallel_loop3A_56  : i32 {
        %parallel_loop3A_58 = arith.index_cast %parallel_loop3A_57 : i32 to index
        %parallel_loop3A_59 = tpu.vector_load %arg10[%parallel_loop3A_58] {strides = array<i32>} : memref<16384xi32, #tpu.memory_space<vmem>>, vector<16xi32>,
        %parallel_loop3A_60 = arith.constant 1440 : i32
        %parallel_loop3A_61 = vector.broadcast %parallel_loop3A_60 : i32 to vector<16xi32>
        %parallel_loop3A_62 = arith.addi %parallel_loop3A_59, %parallel_loop3A_61 : vector<16xi32>
        %parallel_loop3A_63 = arith.constant 7 : i32
        %parallel_loop3A_64 = vector.broadcast %parallel_loop3A_63 : i32 to vector<16xi32>
        %parallel_loop3A_65 = arith.shrui %parallel_loop3A_62, %parallel_loop3A_64 : vector<16xi32>
        %parallel_loop3A_66 = arith.constant 127 : i32
        %parallel_loop3A_67 = vector.broadcast %parallel_loop3A_66 : i32 to vector<16xi32>
        %parallel_loop3A_68 = arith.andi %parallel_loop3A_62, %parallel_loop3A_67 : vector<16xi32>
        %parallel_loop3A_69 = tpu.vector_load_idx %arg9[%parallel_loop3A_65, %parallel_loop3A_68] : memref<188x128xf32, #tpu.memory_space<vmem>>[vector<16xi32>, vector<16xi32>], vector<16xf32>,
        %parallel_loop3A_70 = arith.constant 128 : i32
        %parallel_loop3A_71 = arith.divsi %parallel_loop3A_57, %parallel_loop3A_70 : i32
        %parallel_loop3A_72 = arith.constant 0 : i32
        %parallel_loop3A_73 = arith.cmpi sgt, %parallel_loop3A_57, %parallel_loop3A_72 : i32
        %parallel_loop3A_74 = arith.extui %parallel_loop3A_73 : i1 to i32
        %parallel_loop3A_75 = arith.constant 0 : i32
        %parallel_loop3A_76 = arith.cmpi slt, %parallel_loop3A_57, %parallel_loop3A_75 : i32
        %parallel_loop3A_77 = arith.extui %parallel_loop3A_76 : i1 to i32
        %parallel_loop3A_78 = arith.subi %parallel_loop3A_74, %parallel_loop3A_77 : i32
        %parallel_loop3A_79 = arith.constant 0 : i32
        %parallel_loop3A_80 = arith.cmpi sgt, %parallel_loop3A_70, %parallel_loop3A_79 : i32
        %parallel_loop3A_81 = arith.extui %parallel_loop3A_80 : i1 to i32
        %parallel_loop3A_82 = arith.constant 0 : i32
        %parallel_loop3A_83 = arith.cmpi slt, %parallel_loop3A_70, %parallel_loop3A_82 : i32
        %parallel_loop3A_84 = arith.extui %parallel_loop3A_83 : i1 to i32
        %parallel_loop3A_85 = arith.subi %parallel_loop3A_81, %parallel_loop3A_84 : i32
        %parallel_loop3A_86 = arith.cmpi ne, %parallel_loop3A_78, %parallel_loop3A_85 : i32
        %parallel_loop3A_87 = arith.remsi %parallel_loop3A_57, %parallel_loop3A_70 : i32
        %parallel_loop3A_88 = arith.constant 0 : i32
        %parallel_loop3A_89 = arith.cmpi ne, %parallel_loop3A_87, %parallel_loop3A_88 : i32
        %parallel_loop3A_90 = arith.andi %parallel_loop3A_86, %parallel_loop3A_89 : i1
        %parallel_loop3A_91 = arith.constant 1 : i32
        %parallel_loop3A_92 = arith.subi %parallel_loop3A_71, %parallel_loop3A_91 : i32
        %parallel_loop3A_93 = arith.select %parallel_loop3A_90, %parallel_loop3A_92, %parallel_loop3A_71 : i32
        %parallel_loop3A_94 = arith.constant 128 : i32
        %parallel_loop3A_95 = arith.constant 0 : i32
        %parallel_loop3A_96 = arith.cmpi eq, %parallel_loop3A_94, %parallel_loop3A_95 : i32
        %parallel_loop3A_97 = arith.constant 1 : i32
        %parallel_loop3A_98 = arith.select %parallel_loop3A_96, %parallel_loop3A_97, %parallel_loop3A_94 : i32
        %parallel_loop3A_99 = arith.remsi %parallel_loop3A_57, %parallel_loop3A_98 : i32
        %parallel_loop3A_100 = arith.constant 0 : i32
        %parallel_loop3A_101 = arith.cmpi ne, %parallel_loop3A_99, %parallel_loop3A_100 : i32
        %parallel_loop3A_102 = arith.constant 0 : i32
        %parallel_loop3A_103 = arith.cmpi slt, %parallel_loop3A_99, %parallel_loop3A_102 : i32
        %parallel_loop3A_104 = arith.constant 0 : i32
        %parallel_loop3A_105 = arith.cmpi slt, %parallel_loop3A_98, %parallel_loop3A_104 : i32
        %parallel_loop3A_106 = arith.xori %parallel_loop3A_103, %parallel_loop3A_105 : i1
        %parallel_loop3A_107 = arith.andi %parallel_loop3A_106, %parallel_loop3A_101 : i1
        %parallel_loop3A_108 = arith.addi %parallel_loop3A_99, %parallel_loop3A_98 : i32
        %parallel_loop3A_109 = arith.select %parallel_loop3A_107, %parallel_loop3A_108, %parallel_loop3A_99 : i32
        %parallel_loop3A_110 = arith.index_cast %parallel_loop3A_93 : i32 to index
        %parallel_loop3A_111 = arith.index_cast %parallel_loop3A_109 : i32 to index
        %parallel_loop3A_112 = tpu.vector_load %arg12[%parallel_loop3A_110, %parallel_loop3A_111] {strides = array<i32>} : memref<128x128xf32, #tpu.memory_space<vmem>>, vector<16xf32>,
        tpu.vector_store %arg12[%parallel_loop3A_110, %parallel_loop3A_111], %parallel_loop3A_69 {strides = array<i32>} : memref<128x128xf32, #tpu.memory_space<vmem>>, vector<16xf32>,
      } {sc.loop_unroll_factor = 8 : i64, sc.parallel_access}
    } else {
    }
    %ge3A_9 = arith.constant 19 : i32
    %ge3A_10 = arith.cmpi sge, %add3A, %ge3A_9 : i32
    %lt3A_11 = arith.constant 27 : i32
    %lt3A_12 = arith.cmpi slt, %add3A, %lt3A_11 : i32
    %and3A_13 = arith.andi %ge3A_10, %lt3A_12 : i1
    %convert_element_type3A_14 = arith.extui %and3A_13 : i1 to i32
    %cond3A_15 = arith.constant 0 : i32
    %cond3A_16 = arith.cmpi ne, %convert_element_type3A_14, %cond3A_15 : i32
    scf.if %cond3A_16 {
      %sub3A = arith.constant 19 : i32
      %sub3A_26 = arith.subi %add3A, %sub3A : i32
      %dma_start3A = arith.constant 0 : i32
      %dma_start3A_27 = arith.constant 0 : i32
      %dma_start3A_28 = arith.constant 0 : i32
      %dma_start3A_29 = tpu.memref_slice %arg9[%dma_start3A_27, %dma_start3A_28] : memref<188x128xf32, #tpu.memory_space<vmem>> -> memref<12x128xf32, #tpu.memory_space<vmem>>
      %dma_start3A_30 = arith.constant 0 : i32
      %dma_start3A_31 = arith.constant 0 : i32
      %dma_start3A_32 = tpu.memref_slice %arg7[%dma_start3A, %dma_start3A_30, %sub3A_26, %dma_start3A_31] : memref<1x12x8x128xf32, #tpu.memory_space<hbm>> -> memref<1x12x1x128xf32, #tpu.memory_space<hbm>>
      %dma_start3A_33 = tpu.memref_squeeze %dma_start3A_32 : memref<1x12x1x128xf32, #tpu.memory_space<hbm>> -> memref<12x128xf32, #tpu.memory_space<hbm>>
      %dma_start3A_34 = arith.constant 0 : i32
      %dma_start3A_35 = arith.constant 0 : i32
      %dma_start3A_36 = tpu.memref_slice %arg9[%dma_start3A_34, %dma_start3A_35] : memref<188x128xf32, #tpu.memory_space<vmem>> -> memref<12x128xf32, #tpu.memory_space<vmem>>
      %dma_start3A_37 = arith.constant 0 : i32
      %dma_start3A_38 = arith.constant 0 : i32
      %dma_start3A_39 = tpu.memref_slice %arg7[%dma_start3A, %dma_start3A_37, %sub3A_26, %dma_start3A_38] : memref<1x12x8x128xf32, #tpu.memory_space<hbm>> -> memref<1x12x1x128xf32, #tpu.memory_space<hbm>>
      %dma_start3A_40 = tpu.memref_squeeze %dma_start3A_39 : memref<1x12x1x128xf32, #tpu.memory_space<hbm>> -> memref<12x128xf32, #tpu.memory_space<hbm>>
      tpu.enqueue_dma source(%dma_start3A_40 : memref<12x128xf32, #tpu.memory_space<hbm>>) target(%dma_start3A_36 : memref<12x128xf32, #tpu.memory_space<vmem>>) target_semaphore(%arg13 : memref<!tpu.dma_semaphore, #tpu.memory_space<semaphore_mem>>)
      tpu.enqueue_dma source(%arg4 : memref<16384xi32, #tpu.memory_space<hbm>>) target(%arg10 : memref<16384xi32, #tpu.memory_space<vmem>>) target_semaphore(%arg13 : memref<!tpu.dma_semaphore, #tpu.memory_space<semaphore_mem>>)
      %dma_wait3A = arith.constant 0 : i32
      %dma_wait3A_41 = arith.constant 0 : i32
      %dma_wait3A_42 = arith.constant 0 : i32
      %dma_wait3A_43 = tpu.memref_slice %arg9[%dma_wait3A_41, %dma_wait3A_42] : memref<188x128xf32, #tpu.memory_space<vmem>> -> memref<12x128xf32, #tpu.memory_space<vmem>>
      %dma_wait3A_44 = arith.constant 0 : i32
      %dma_wait3A_45 = arith.constant 0 : i32
      %dma_wait3A_46 = tpu.memref_slice %arg7[%dma_wait3A, %dma_wait3A_44, %sub3A_26, %dma_wait3A_45] : memref<1x12x8x128xf32, #tpu.memory_space<hbm>> -> memref<1x12x1x128xf32, #tpu.memory_space<hbm>>
      %dma_wait3A_47 = tpu.memref_squeeze %dma_wait3A_46 : memref<1x12x1x128xf32, #tpu.memory_space<hbm>> -> memref<12x128xf32, #tpu.memory_space<hbm>>
      %dma_wait3A_48 = arith.constant 0 : i32
      %dma_wait3A_49 = arith.constant 0 : i32
      %dma_wait3A_50 = tpu.memref_slice %arg9[%dma_wait3A_48, %dma_wait3A_49] : memref<188x128xf32, #tpu.memory_space<vmem>> -> memref<12x128xf32, #tpu.memory_space<vmem>>
      %dma_wait3A_51 = arith.constant 0 : i32
      %dma_wait3A_52 = arith.constant 0 : i32
      %dma_wait3A_53 = tpu.memref_slice %arg7[%dma_wait3A, %dma_wait3A_51, %sub3A_26, %dma_wait3A_52] : memref<1x12x8x128xf32, #tpu.memory_space<hbm>> -> memref<1x12x1x128xf32, #tpu.memory_space<hbm>>
      %dma_wait3A_54 = tpu.memref_squeeze %dma_wait3A_53 : memref<1x12x1x128xf32, #tpu.memory_space<hbm>> -> memref<12x128xf32, #tpu.memory_space<hbm>>
      tpu.wait_dma2 semaphore(%arg13 : memref<!tpu.dma_semaphore, #tpu.memory_space<semaphore_mem>>) src(%dma_wait3A_54 : memref<12x128xf32, #tpu.memory_space<hbm>>) dst(%dma_wait3A_50 : memref<12x128xf32, #tpu.memory_space<vmem>>)
      tpu.wait_dma2 semaphore(%arg13 : memref<!tpu.dma_semaphore, #tpu.memory_space<semaphore_mem>>) src(%arg4 : memref<16384xi32, #tpu.memory_space<hbm>>) dst(%arg10 : memref<16384xi32, #tpu.memory_space<vmem>>)
      %parallel_loop3A = arith.constant 0 : i32
      %parallel_loop3A_55 = arith.constant 16384 : i32
      %parallel_loop3A_56 = arith.constant 16 : i32
      scf.for %parallel_loop3A_57 = %parallel_loop3A to %parallel_loop3A_55 step %parallel_loop3A_56  : i32 {
        %parallel_loop3A_58 = arith.index_cast %parallel_loop3A_57 : i32 to index
        %parallel_loop3A_59 = tpu.vector_load %arg10[%parallel_loop3A_58] {strides = array<i32>} : memref<16384xi32, #tpu.memory_space<vmem>>, vector<16xi32>,
        %parallel_loop3A_60 = arith.constant 0 : i32
        %parallel_loop3A_61 = vector.broadcast %parallel_loop3A_60 : i32 to vector<16xi32>
        %parallel_loop3A_62 = arith.addi %parallel_loop3A_59, %parallel_loop3A_61 : vector<16xi32>
        %parallel_loop3A_63 = arith.constant 7 : i32
        %parallel_loop3A_64 = vector.broadcast %parallel_loop3A_63 : i32 to vector<16xi32>
        %parallel_loop3A_65 = arith.shrui %parallel_loop3A_62, %parallel_loop3A_64 : vector<16xi32>
        %parallel_loop3A_66 = arith.constant 127 : i32
        %parallel_loop3A_67 = vector.broadcast %parallel_loop3A_66 : i32 to vector<16xi32>
        %parallel_loop3A_68 = arith.andi %parallel_loop3A_62, %parallel_loop3A_67 : vector<16xi32>
        %parallel_loop3A_69 = tpu.vector_load_idx %arg9[%parallel_loop3A_65, %parallel_loop3A_68] : memref<188x128xf32, #tpu.memory_space<vmem>>[vector<16xi32>, vector<16xi32>], vector<16xf32>,
        %parallel_loop3A_70 = arith.constant 128 : i32
        %parallel_loop3A_71 = arith.divsi %parallel_loop3A_57, %parallel_loop3A_70 : i32
        %parallel_loop3A_72 = arith.constant 0 : i32
        %parallel_loop3A_73 = arith.cmpi sgt, %parallel_loop3A_57, %parallel_loop3A_72 : i32
        %parallel_loop3A_74 = arith.extui %parallel_loop3A_73 : i1 to i32
        %parallel_loop3A_75 = arith.constant 0 : i32
        %parallel_loop3A_76 = arith.cmpi slt, %parallel_loop3A_57, %parallel_loop3A_75 : i32
        %parallel_loop3A_77 = arith.extui %parallel_loop3A_76 : i1 to i32
        %parallel_loop3A_78 = arith.subi %parallel_loop3A_74, %parallel_loop3A_77 : i32
        %parallel_loop3A_79 = arith.constant 0 : i32
        %parallel_loop3A_80 = arith.cmpi sgt, %parallel_loop3A_70, %parallel_loop3A_79 : i32
        %parallel_loop3A_81 = arith.extui %parallel_loop3A_80 : i1 to i32
        %parallel_loop3A_82 = arith.constant 0 : i32
        %parallel_loop3A_83 = arith.cmpi slt, %parallel_loop3A_70, %parallel_loop3A_82 : i32
        %parallel_loop3A_84 = arith.extui %parallel_loop3A_83 : i1 to i32
        %parallel_loop3A_85 = arith.subi %parallel_loop3A_81, %parallel_loop3A_84 : i32
        %parallel_loop3A_86 = arith.cmpi ne, %parallel_loop3A_78, %parallel_loop3A_85 : i32
        %parallel_loop3A_87 = arith.remsi %parallel_loop3A_57, %parallel_loop3A_70 : i32
        %parallel_loop3A_88 = arith.constant 0 : i32
        %parallel_loop3A_89 = arith.cmpi ne, %parallel_loop3A_87, %parallel_loop3A_88 : i32
        %parallel_loop3A_90 = arith.andi %parallel_loop3A_86, %parallel_loop3A_89 : i1
        %parallel_loop3A_91 = arith.constant 1 : i32
        %parallel_loop3A_92 = arith.subi %parallel_loop3A_71, %parallel_loop3A_91 : i32
        %parallel_loop3A_93 = arith.select %parallel_loop3A_90, %parallel_loop3A_92, %parallel_loop3A_71 : i32
        %parallel_loop3A_94 = arith.constant 128 : i32
        %parallel_loop3A_95 = arith.constant 0 : i32
        %parallel_loop3A_96 = arith.cmpi eq, %parallel_loop3A_94, %parallel_loop3A_95 : i32
        %parallel_loop3A_97 = arith.constant 1 : i32
        %parallel_loop3A_98 = arith.select %parallel_loop3A_96, %parallel_loop3A_97, %parallel_loop3A_94 : i32
        %parallel_loop3A_99 = arith.remsi %parallel_loop3A_57, %parallel_loop3A_98 : i32
        %parallel_loop3A_100 = arith.constant 0 : i32
        %parallel_loop3A_101 = arith.cmpi ne, %parallel_loop3A_99, %parallel_loop3A_100 : i32
        %parallel_loop3A_102 = arith.constant 0 : i32
        %parallel_loop3A_103 = arith.cmpi slt, %parallel_loop3A_99, %parallel_loop3A_102 : i32
        %parallel_loop3A_104 = arith.constant 0 : i32
        %parallel_loop3A_105 = arith.cmpi slt, %parallel_loop3A_98, %parallel_loop3A_104 : i32
        %parallel_loop3A_106 = arith.xori %parallel_loop3A_103, %parallel_loop3A_105 : i1
        %parallel_loop3A_107 = arith.andi %parallel_loop3A_106, %parallel_loop3A_101 : i1
        %parallel_loop3A_108 = arith.addi %parallel_loop3A_99, %parallel_loop3A_98 : i32
        %parallel_loop3A_109 = arith.select %parallel_loop3A_107, %parallel_loop3A_108, %parallel_loop3A_99 : i32
        %parallel_loop3A_110 = arith.index_cast %parallel_loop3A_93 : i32 to index
        %parallel_loop3A_111 = arith.index_cast %parallel_loop3A_109 : i32 to index
        %parallel_loop3A_112 = tpu.vector_load %arg12[%parallel_loop3A_110, %parallel_loop3A_111] {strides = array<i32>} : memref<128x128xf32, #tpu.memory_space<vmem>>, vector<16xf32>,
        tpu.vector_store %arg12[%parallel_loop3A_110, %parallel_loop3A_111], %parallel_loop3A_69 {strides = array<i32>} : memref<128x128xf32, #tpu.memory_space<vmem>>, vector<16xf32>,
      } {sc.loop_unroll_factor = 8 : i64, sc.parallel_access}
    } else {
    }
    %eq3A = arith.constant 27 : i32
    %eq3A_17 = arith.cmpi eq, %add3A, %eq3A : i32
    %convert_element_type3A_18 = arith.extui %eq3A_17 : i1 to i32
    %cond3A_19 = arith.constant 0 : i32
    %cond3A_20 = arith.cmpi ne, %convert_element_type3A_18, %cond3A_19 : i32
    scf.if %cond3A_20 {
      tpu.enqueue_dma source(%arg5 : memref<16384xf32, #tpu.memory_space<hbm>>) target(%arg11 : memref<16384xf32, #tpu.memory_space<vmem>>) target_semaphore(%arg13 : memref<!tpu.dma_semaphore, #tpu.memory_space<semaphore_mem>>)
      tpu.wait_dma2 semaphore(%arg13 : memref<!tpu.dma_semaphore, #tpu.memory_space<semaphore_mem>>) src(%arg5 : memref<16384xf32, #tpu.memory_space<hbm>>) dst(%arg11 : memref<16384xf32, #tpu.memory_space<vmem>>)
      %parallel_loop3A = arith.constant 0 : i32
      %parallel_loop3A_26 = arith.constant 16384 : i32
      %parallel_loop3A_27 = arith.constant 16 : i32
      scf.for %parallel_loop3A_28 = %parallel_loop3A to %parallel_loop3A_26 step %parallel_loop3A_27  : i32 {
        %parallel_loop3A_29 = arith.index_cast %parallel_loop3A_28 : i32 to index
        %parallel_loop3A_30 = tpu.vector_load %arg11[%parallel_loop3A_29] {strides = array<i32>} : memref<16384xf32, #tpu.memory_space<vmem>>, vector<16xf32>,
        %parallel_loop3A_31 = arith.constant 2.000000e-01 : f32
        %parallel_loop3A_32 = vector.broadcast %parallel_loop3A_31 : f32 to vector<16xf32>
        %parallel_loop3A_33 = arith.mulf %parallel_loop3A_30, %parallel_loop3A_32 : vector<16xf32>
        %parallel_loop3A_34 = arith.constant 2.000000e+00 : f32
        %parallel_loop3A_35 = vector.broadcast %parallel_loop3A_34 : f32 to vector<16xf32>
        %parallel_loop3A_36 = arith.subf %parallel_loop3A_33, %parallel_loop3A_35 : vector<16xf32>
        %parallel_loop3A_37 = arith.constant 128 : i32
        %parallel_loop3A_38 = arith.divsi %parallel_loop3A_28, %parallel_loop3A_37 : i32
        %parallel_loop3A_39 = arith.constant 0 : i32
        %parallel_loop3A_40 = arith.cmpi sgt, %parallel_loop3A_28, %parallel_loop3A_39 : i32
        %parallel_loop3A_41 = arith.extui %parallel_loop3A_40 : i1 to i32
        %parallel_loop3A_42 = arith.constant 0 : i32
        %parallel_loop3A_43 = arith.cmpi slt, %parallel_loop3A_28, %parallel_loop3A_42 : i32
        %parallel_loop3A_44 = arith.extui %parallel_loop3A_43 : i1 to i32
        %parallel_loop3A_45 = arith.subi %parallel_loop3A_41, %parallel_loop3A_44 : i32
        %parallel_loop3A_46 = arith.constant 0 : i32
        %parallel_loop3A_47 = arith.cmpi sgt, %parallel_loop3A_37, %parallel_loop3A_46 : i32
        %parallel_loop3A_48 = arith.extui %parallel_loop3A_47 : i1 to i32
        %parallel_loop3A_49 = arith.constant 0 : i32
        %parallel_loop3A_50 = arith.cmpi slt, %parallel_loop3A_37, %parallel_loop3A_49 : i32
        %parallel_loop3A_51 = arith.extui %parallel_loop3A_50 : i1 to i32
        %parallel_loop3A_52 = arith.subi %parallel_loop3A_48, %parallel_loop3A_51 : i32
        %parallel_loop3A_53 = arith.cmpi ne, %parallel_loop3A_45, %parallel_loop3A_52 : i32
        %parallel_loop3A_54 = arith.remsi %parallel_loop3A_28, %parallel_loop3A_37 : i32
        %parallel_loop3A_55 = arith.constant 0 : i32
        %parallel_loop3A_56 = arith.cmpi ne, %parallel_loop3A_54, %parallel_loop3A_55 : i32
        %parallel_loop3A_57 = arith.andi %parallel_loop3A_53, %parallel_loop3A_56 : i1
        %parallel_loop3A_58 = arith.constant 1 : i32
        %parallel_loop3A_59 = arith.subi %parallel_loop3A_38, %parallel_loop3A_58 : i32
        %parallel_loop3A_60 = arith.select %parallel_loop3A_57, %parallel_loop3A_59, %parallel_loop3A_38 : i32
        %parallel_loop3A_61 = arith.constant 128 : i32
        %parallel_loop3A_62 = arith.constant 0 : i32
        %parallel_loop3A_63 = arith.cmpi eq, %parallel_loop3A_61, %parallel_loop3A_62 : i32
        %parallel_loop3A_64 = arith.constant 1 : i32
        %parallel_loop3A_65 = arith.select %parallel_loop3A_63, %parallel_loop3A_64, %parallel_loop3A_61 : i32
        %parallel_loop3A_66 = arith.remsi %parallel_loop3A_28, %parallel_loop3A_65 : i32
        %parallel_loop3A_67 = arith.constant 0 : i32
        %parallel_loop3A_68 = arith.cmpi ne, %parallel_loop3A_66, %parallel_loop3A_67 : i32
        %parallel_loop3A_69 = arith.constant 0 : i32
        %parallel_loop3A_70 = arith.cmpi slt, %parallel_loop3A_66, %parallel_loop3A_69 : i32
        %parallel_loop3A_71 = arith.constant 0 : i32
        %parallel_loop3A_72 = arith.cmpi slt, %parallel_loop3A_65, %parallel_loop3A_71 : i32
        %parallel_loop3A_73 = arith.xori %parallel_loop3A_70, %parallel_loop3A_72 : i1
        %parallel_loop3A_74 = arith.andi %parallel_loop3A_73, %parallel_loop3A_68 : i1
        %parallel_loop3A_75 = arith.addi %parallel_loop3A_66, %parallel_loop3A_65 : i32
        %parallel_loop3A_76 = arith.select %parallel_loop3A_74, %parallel_loop3A_75, %parallel_loop3A_66 : i32
        %parallel_loop3A_77 = arith.index_cast %parallel_loop3A_60 : i32 to index
        %parallel_loop3A_78 = arith.index_cast %parallel_loop3A_76 : i32 to index
        %parallel_loop3A_79 = tpu.vector_load %arg12[%parallel_loop3A_77, %parallel_loop3A_78] {strides = array<i32>} : memref<128x128xf32, #tpu.memory_space<vmem>>, vector<16xf32>,
        tpu.vector_store %arg12[%parallel_loop3A_77, %parallel_loop3A_78], %parallel_loop3A_36 {strides = array<i32>} : memref<128x128xf32, #tpu.memory_space<vmem>>, vector<16xf32>,
      } {sc.loop_unroll_factor = 8 : i64, sc.parallel_access}
    } else {
    }
    %lt3A_21 = arith.constant 28 : i32
    %lt3A_22 = arith.cmpi slt, %add3A, %lt3A_21 : i32
    %convert_element_type3A_23 = arith.extui %lt3A_22 : i1 to i32
    %cond3A_24 = arith.constant 0 : i32
    %cond3A_25 = arith.cmpi ne, %convert_element_type3A_23, %cond3A_24 : i32
    scf.if %cond3A_25 {
      %jit3A = arith.constant 8 : i32
      %div3A = arith.divsi %add3A, %jit3A : i32
      %sign3A = arith.constant 0 : i32
      %sign3A_26 = arith.cmpi sgt, %add3A, %sign3A : i32
      %sign3A_27 = arith.extui %sign3A_26 : i1 to i32
      %sign3A_28 = arith.constant 0 : i32
      %sign3A_29 = arith.cmpi slt, %add3A, %sign3A_28 : i32
      %sign3A_30 = arith.extui %sign3A_29 : i1 to i32
      %sign3A_31 = arith.subi %sign3A_27, %sign3A_30 : i32
      %sign3A_32 = arith.constant 0 : i32
      %sign3A_33 = arith.cmpi sgt, %jit3A, %sign3A_32 : i32
      %sign3A_34 = arith.extui %sign3A_33 : i1 to i32
      %sign3A_35 = arith.constant 0 : i32
      %sign3A_36 = arith.cmpi slt, %jit3A, %sign3A_35 : i32
      %sign3A_37 = arith.extui %sign3A_36 : i1 to i32
      %sign3A_38 = arith.subi %sign3A_34, %sign3A_37 : i32
      %ne3A = arith.cmpi ne, %sign3A_31, %sign3A_38 : i32
      %rem3A = arith.remsi %add3A, %jit3A : i32
      %ne3A_39 = arith.constant 0 : i32
      %ne3A_40 = arith.cmpi ne, %rem3A, %ne3A_39 : i32
      %and3A_41 = arith.andi %ne3A, %ne3A_40 : i1
      %sub3A = arith.constant 1 : i32
      %sub3A_42 = arith.subi %div3A, %sub3A : i32
      %select_n3A = arith.select %and3A_41, %sub3A_42, %div3A : i32
      %jit3A_43 = arith.constant 8 : i32
      %eq3A_44 = arith.constant 0 : i32
      %eq3A_45 = arith.cmpi eq, %jit3A_43, %eq3A_44 : i32
      %jit3A_46 = arith.constant 1 : i32
      %select_n3A_47 = arith.select %eq3A_45, %jit3A_46, %jit3A_43 : i32
      %rem3A_48 = arith.remsi %add3A, %select_n3A_47 : i32
      %ne3A_49 = arith.constant 0 : i32
      %ne3A_50 = arith.cmpi ne, %rem3A_48, %ne3A_49 : i32
      %lt3A_51 = arith.constant 0 : i32
      %lt3A_52 = arith.cmpi slt, %rem3A_48, %lt3A_51 : i32
      %lt3A_53 = arith.constant 0 : i32
      %lt3A_54 = arith.cmpi slt, %select_n3A_47, %lt3A_53 : i32
      %ne3A_55 = arith.xori %lt3A_52, %lt3A_54 : i1
      %and3A_56 = arith.andi %ne3A_55, %ne3A_50 : i1
      %add3A_57 = arith.addi %rem3A_48, %select_n3A_47 : i32
      %select_n3A_58 = arith.select %and3A_56, %add3A_57, %rem3A_48 : i32
      "tpu.region"() ({
        %run_scoped3A = tpu.sem_alloc : memref<!tpu.dma_semaphore, #tpu.memory_space<semaphore_mem>>
        %dma_start3A = arith.constant 0 : i32
        %dma_start3A_59 = arith.constant 0 : i32
        %dma_start3A_60 = tpu.memref_slice %arg8[%select_n3A, %dma_start3A, %select_n3A_58, %dma_start3A_59] : memref<4x128x8x128xf32, #tpu.memory_space<hbm>> -> memref<1x128x1x128xf32, #tpu.memory_space<hbm>>
        %dma_start3A_61 = tpu.memref_squeeze %dma_start3A_60 : memref<1x128x1x128xf32, #tpu.memory_space<hbm>> -> memref<128x128xf32, #tpu.memory_space<hbm>>
        %dma_start3A_62 = arith.constant 0 : i32
        %dma_start3A_63 = arith.constant 0 : i32
        %dma_start3A_64 = tpu.memref_slice %arg8[%select_n3A, %dma_start3A_62, %select_n3A_58, %dma_start3A_63] : memref<4x128x8x128xf32, #tpu.memory_space<hbm>> -> memref<1x128x1x128xf32, #tpu.memory_space<hbm>>
        %dma_start3A_65 = tpu.memref_squeeze %dma_start3A_64 : memref<1x128x1x128xf32, #tpu.memory_space<hbm>> -> memref<128x128xf32, #tpu.memory_space<hbm>>
        tpu.enqueue_dma source(%arg12 : memref<128x128xf32, #tpu.memory_space<vmem>>) target(%dma_start3A_65 : memref<128x128xf32, #tpu.memory_space<hbm>>) target_semaphore(%run_scoped3A : memref<!tpu.dma_semaphore, #tpu.memory_space<semaphore_mem>>)
        %dma_wait3A = arith.constant 0 : i32
        %dma_wait3A_66 = arith.constant 0 : i32
        %dma_wait3A_67 = tpu.memref_slice %arg8[%select_n3A, %dma_wait3A, %select_n3A_58, %dma_wait3A_66] : memref<4x128x8x128xf32, #tpu.memory_space<hbm>> -> memref<1x128x1x128xf32, #tpu.memory_space<hbm>>
        %dma_wait3A_68 = tpu.memref_squeeze %dma_wait3A_67 : memref<1x128x1x128xf32, #tpu.memory_space<hbm>> -> memref<128x128xf32, #tpu.memory_space<hbm>>
        %dma_wait3A_69 = arith.constant 0 : i32
        %dma_wait3A_70 = arith.constant 0 : i32
        %dma_wait3A_71 = tpu.memref_slice %arg8[%select_n3A, %dma_wait3A_69, %select_n3A_58, %dma_wait3A_70] : memref<4x128x8x128xf32, #tpu.memory_space<hbm>> -> memref<1x128x1x128xf32, #tpu.memory_space<hbm>>
        %dma_wait3A_72 = tpu.memref_squeeze %dma_wait3A_71 : memref<1x128x1x128xf32, #tpu.memory_space<hbm>> -> memref<128x128xf32, #tpu.memory_space<hbm>>
        tpu.wait_dma2 semaphore(%run_scoped3A : memref<!tpu.dma_semaphore, #tpu.memory_space<semaphore_mem>>) src(%arg12 : memref<128x128xf32, #tpu.memory_space<vmem>>) dst(%dma_wait3A_72 : memref<128x128xf32, #tpu.memory_space<hbm>>)
        tpu.yield
      }) : () -> ()
    } else {
    }
    return
  }
}

</mosaic_0001>

<sc_bundles>
// kernel: kernel.3.cloned.1.call-start
scs
__scs_entry_jumppad:
0x0: {  	(pc) =	sbr.rel $0x88, $3  }
0x1: {  	(tag) =	ssettag $0x0;
	lr =	simm.s32 $0x1  }
0x2: {  	[smem:$0x3F9A] =	sst lr;
	_ =	strace $0xD0000000  }
0x3: {  	_ = 	snop  }
0x4: {  	_ = 	snop  }
0x5: {  	_ = 	snop  }
0x6: {  	_ = 	snop  }
0x7: {  	_ = 	snop  }
__scs_overlays_trampoline_lowered:
0x8: {  	[smem:$0x3FA9] =	sst s0  }
0x9: {  	[smem:$0x3FAA] =	sst s1  }
0xa: {  	[smem:$0x3FAB] =	sst s2  }
0xb: {  	[smem:$0x3FAC] =	sst s3  }
0xc: {  	[smem:$0x3FAD] =	sst s4  }
0xd: {  	[smem:$0x3FAE] =	sst s5  }
0xe: {  	[smem:$0x3FAF] =	sst s6  }
0xf: {  	[smem:$0x3FB0] =	sst s7  }
0x10: {  	[smem:$0x3FB1] =	sst s8  }
0x11: {  	[smem:$0x3FB2] =	sst s9;
	s0 =	simm.s32 @!p0 $0x0  }
0x12: {  	s1 =	sld [smem:$0x3F98];
	s0 =	simm.s32 @p0 $0x1  }
0x13: {  	[smem:$0x3FB3] =	sst s0;
	s0 =	simm.s32 @!p1 $0x0  }
0x14: {  	s2 =	sld [smem:$0x3F97];
	s0 =	simm.s32 @p1 $0x1  }
0x15: {  	[smem:$0x3FB4] =	sst s0;
	s0 =	simm.s32 @!p2 $0x0  }
0x16: {  	s3 =	sld [smem:$0x3FDB];
	s0 =	simm.s32 @p2 $0x1  }
0x17: {  	s4 =	simm.s32 $0x1BF5;
	[smem:$0x3FB6] =	sst s0  }
0x18: {  	s0 =	sld [smem:$0x3F99];
	_ =	swait.ge [sflag:s4], $0x0  }
0x19: {  	s7 =	sld [smem:$0x3F9A]  }
0x1a: {  	s8 =	sadd.s32 $0xFFFFE003, lr  }
0x1b: {  	s9 =	sadd.s32 $0xFFFFFEF7, lr;
	s5 =	simm.s32 $0xFFFFFFFF;
	p2 =	slt.u32 s8, $0xFFFFF086  }
0x1c: {  	p1 =	slt.u32 s9, $0xF7A;
	s5 =	simm.s32 @!p2 $0x0  }
0x1d: {  	s5 =	simm.s32 @p1 $0x1;
	p0 =	seq.s32 s7, s2  }
0x1e: {  	s7 =	smul.u32 @!p0 $0xF7A, s2;
	p2 =	seq.s32 @!p0 s5, $0x0  }
0x1f: {  	s9 =	smul.u32 $0xF7A, s1;
	s8 =	simm.s32 @!p0 $0x1BF5;
	p2 =	por !p2, p0  }
0x20: {  	[sflag:s8] =	ssyncset.s32 @!p0 $0xFFFFF086;
	s6 =	sadd.s32 @!p0 s3, s7;
	s7 =	simm.s32 @!p0 $0x108  }
0x21: {  	s3 =	sadd.s32 s3, s9;
	s6 =	sadd.s32 @!p0 $0x88, s6;
	s7 =	simm.s32 @p2 $0x1082  }
0x22: {  	[simem:s7], [sflag:s8] =	dma.local @!p0 [hbm:s6], $0xF7A  }
0x23: {  	s9 =	sor.u32 $0xD0000000, s2;
	s6 =	simm.s32 $0x108;
	_ =	swait.ge @!p0 [sflag:s8], $0x0  }
0x24: {  	s3 =	sadd.s32 $0x88, s3;
	s6 =	simm.s32 @!p1 $0x1082;
	[sflag:s4] =	ssyncset.s32 $0xFFFFF086  }
0x25: {  	[simem:s6], [sflag:s4] =	dma.local [hbm:s3], $0xF7A  }
0x26: {  	[smem:$0x3F9A] =	sst s1;
	(tag) =	ssettag s2;
	_ =	strace s9  }
0x27: {  	s1 =	sld [smem:$0x3FAA]  }
0x28: {  	s2 =	sld [smem:$0x3FAB]  }
0x29: {  	s4 =	sld [smem:$0x3FAD]  }
0x2a: {  	p0 =	seq.s32 s5, $0x0;
	s5 =	sld [smem:$0x3FAE]  }
0x2b: {  	s6 =	sld [smem:$0x3FAF]  }
0x2c: {  	s7 =	sld [smem:$0x3FB0]  }
0x2d: {  	s3 =	simm.s32 $0x108;
	s8 =	sld [smem:$0x3FB1]  }
0x2e: {  	s3 =	simm.s32 @!p0 $0x1082;
	s9 =	sld [smem:$0x3FB2]  }
0x2f: {  	lr =	sadd.s32 s0, s3;
	s0 =	sld [smem:$0x3FA9]  }
0x30: {  	s3 =	sld [smem:$0x3FAC]  }
0x31: {  	[smem:$0x3FB5] =	sst s10  }
0x32: {  	s10 =	sld [smem:$0x3FB3];
	_ =	sdelay $0x3  }
0x33: {  	p0 =	seq.s32 s10, $0x1;
	s10 =	sld [smem:$0x3FB5];
	_ =	sdelay $0x3  }
0x34: {  	[smem:$0x3FB5] =	sst s10  }
0x35: {  	s10 =	sld [smem:$0x3FB4];
	_ =	sdelay $0x3  }
0x36: {  	p1 =	seq.s32 s10, $0x1;
	s10 =	sld [smem:$0x3FB5];
	_ =	sdelay $0x3  }
0x37: {  	[smem:$0x3FB5] =	sst s10  }
0x38: {  	s10 =	sld [smem:$0x3FB6]  }
0x39: {  	_ = 	snop;
	(pc) =	sbr.ind lr, $3  }
0x3a: {  	_ = 	snop  }
0x3b: {  	_ = 	snop  }
0x3c: {  	p2 =	seq.s32 s10, $0x1;
	s10 =	sld [smem:$0x3FB5]  }
0x3d: {  	_ =	shalt  }
0x3e: {  	_ =	shalt  }
0x3f: {  	_ =	shalt  }
0x40: {  	_ =	shalt  }
0x41: {  	_ =	shalt  }
0x42: {  	_ =	shalt  }
0x43: {  	_ =	shalt  }
0x44: {  	_ =	shalt  }
0x45: {  	_ =	shalt  }
0x46: {  	_ =	shalt  }
0x47: {  	_ =	shalt  }
0x48: {  	_ =	shalt  }
0x49: {  	_ =	shalt  }
0x4a: {  	_ =	shalt  }
0x4b: {  	_ =	shalt  }
0x4c: {  	_ =	shalt  }
0x4d: {  	_ =	shalt  }
0x4e: {  	_ =	shalt  }
0x4f: {  	_ =	shalt  }
0x50: {  	_ =	shalt  }
0x51: {  	_ =	shalt  }
0x52: {  	_ =	shalt  }
0x53: {  	_ =	shalt  }
0x54: {  	_ =	shalt  }
0x55: {  	_ =	shalt  }
0x56: {  	_ =	shalt  }
0x57: {  	_ =	shalt  }
0x58: {  	_ =	shalt  }
0x59: {  	_ =	shalt  }
0x5a: {  	_ =	shalt  }
0x5b: {  	_ =	shalt  }
0x5c: {  	_ =	shalt  }
0x5d: {  	_ =	shalt  }
0x5e: {  	_ =	shalt  }
0x5f: {  	_ =	shalt  }
0x60: {  	_ =	shalt  }
0x61: {  	_ =	shalt  }
0x62: {  	_ =	shalt  }
0x63: {  	_ =	shalt  }
0x64: {  	_ =	shalt  }
0x65: {  	_ =	shalt  }
0x66: {  	_ =	shalt  }
0x67: {  	_ =	shalt  }
0x68: {  	_ =	shalt  }
0x69: {  	_ =	shalt  }
0x6a: {  	_ =	shalt  }
0x6b: {  	_ =	shalt  }
0x6c: {  	_ =	shalt  }
0x6d: {  	_ =	shalt  }
0x6e: {  	_ =	shalt  }
0x6f: {  	_ =	shalt  }
0x70: {  	_ =	shalt  }
0x71: {  	_ =	shalt  }
0x72: {  	_ =	shalt  }
0x73: {  	_ =	shalt  }
0x74: {  	_ =	shalt  }
0x75: {  	_ =	shalt  }
0x76: {  	_ =	shalt  }
0x77: {  	_ =	shalt  }
0x78: {  	_ =	shalt  }
0x79: {  	_ =	shalt  }
0x7a: {  	_ =	shalt  }
0x7b: {  	_ =	shalt  }
0x7c: {  	_ =	shalt  }
0x7d: {  	_ =	shalt  }
0x7e: {  	_ =	shalt  }
0x7f: {  	_ =	shalt  }
0x80: {  	_ =	shalt  }
0x81: {  	_ =	shalt  }
0x82: {  	_ =	shalt  }
0x83: {  	_ =	shalt  }
0x84: {  	_ =	shalt  }
0x85: {  	_ =	shalt  }
0x86: {  	_ =	shalt  }
0x87: {  	_ =	shalt  }
.Lfunc_end0:
.L_simem_size_0:
called_computation_lowered:
.L_overlay_start_0:
0x88: {  	s2 =	sld [smem:$0x3FD9]  }
0x89: {  	s3 =	sld [smem:$0x3FFE];
	_ =	sdelay $0x1  }
0x8a: {  	s1 =	srdreg.scid  }
0x8b: {  	s0 =	sand.u32 $0x1, s1  }
0x8c: {  	s17 =	sshll.u32 s0, $0xA;
	s2 =	sadd.s32 s3, s2  }
0x8d: {  	s2 =	sadd.s32 s2, s17  }
0x8e: {  	[smem:$0x3FC1] =	sst s2  }
0x8f: {  	_ = 	snop  }
0x90: {  	s2 =	sld [smem:$0x3FC9]  }
0x91: {  	s18 =	sld [smem:$0x3FC8]  }
0x92: {  	s4 =	sld [smem:$0x3FC7]  }
0x93: {  	s5 =	sld [smem:$0x3FC6]  }
0x94: {  	s6 =	sld [smem:$0x3FD0];
	(tm) =	ssettm $0x1  }
0x95: {  	s7 =	sld [smem:$0x3FFB];
	_ =	sdelay $0x3  }
0x96: {  	_ =	strace s7  }
0x97: {  	s7 =	sld [smem:$0x3FFC];
	_ =	sdelay $0x3  }
0x98: {  	_ =	strace s7  }
0x99: {  	s7 =	sld [smem:$0x3FFD];
	_ =	sdelay $0x3  }
0x9a: {  	_ =	strace s7  }
0x9b: {  	_ =	strace $0x8FFFFFFF  }
0x9c: {  	s19 =	sld [smem:$0x3FDB];
	_ =	sdelay $0x1  }
0x9d: {  	s8 =	simm.s32 $_scs_section_size  }
0x9e: {  	s9 =	simm.s32 $_size__tile_overlayer_lowered;
	s10 =	simm.s32 $_tile_overlayer_lowered  }
0x9f: {  	s22 =	simm.s32 $0x1BFF;
	s21 =	sshll.u32 s10, $0x1;
	s7 =	sadd.s32 s8, s19  }
0xa0: {  	s11 =	simm.s32 $0x0;
	s20 =	sshll.u32 s9, $0x1;
	s9 =	sadd.s32 s21, s7  }
0xa1: {  	[timem:s11], [sflag:s22] =	dma.local [hbm:s9], s20  }
0xa2: {  	_ =	swait.ge [sflag:s22], s20  }
0xa3: {  	s8 =	ssub.s32 $0x0, s20;
	[sflag:s22] =	ssyncset.done $0x0  }
0xa4: {  	[sflag:s22] =	ssyncadd.s32 s8;
	_ =	sdelay $0x1  }
0xa5: {  	s23 =	simm.s32 $0x1B8B  }
0xa6: {  	_ =	swait.ge [sflag:s23], $0x1  }
0xa7: {  	[sflag:s23] =	ssyncset.done $0x0  }
0xa8: {  	s25 =	simm.s32 $0x1B8E;
	s24 =	sld [smem:$0x3FFE];
	[sflag:s23] =	ssyncadd.s32 $0xFFFFFFFF  }
0xa9: {  	s26 =	simm.s32 $execute0_lowered;
	[smem:$0x3FD2] =	sst s25  }
0xaa: {  	s9 =	sshll.u32 s26, $0x1;
	_ =	strace $0x80000046;
	[dreg:$0x1] =	wrdreg $0xFFFFFFFF  }
0xab: {  	s28 =	simm.s32 $_size_execute0_lowered;
	s7 =	sadd.s32 s7, s9;
	[dreg:$0x0] =	wrdreg $0x0  }
0xac: {  	s9 =	sshll.u32 s28, $0x1;
	[dreg:$0x2] =	wrdreg s7  }
0xad: {  	[dreg:$0x3] =	wrdreg s9  }
0xae: {  	[dreg:$0x4] =	wrdreg $0xC0  }
0xaf: {  	_ =	task [dreg:s11], $0x5FFFF  }
0xb0: {  	[dreg:$0x1] =	wrdreg $0xFFFFFFFF  }
0xb1: {  	[dreg:$0x0] =	wrdreg $0x60  }
0xb2: {  	[dreg:$0x2] =	wrdreg s2  }
0xb3: {  	[dreg:$0x3] =	wrdreg s18  }
0xb4: {  	[dreg:$0x4] =	wrdreg s4  }
0xb5: {  	[dreg:$0x5] =	wrdreg s5  }
0xb6: {  	[dreg:$0x6] =	wrdreg s6  }
0xb7: {  	[dreg:$0x7] =	wrdreg s24  }
0xb8: {  	[dreg:$0x8] =	wrdreg $0x9  }
0xb9: {  	_ =	task.clear_ibuf [dreg:s11], $0x9FFFF;
	_ =	strace $0x90000046  }
0xba: {  	s29 =	simm.s32 $0x9;
	_ =	strace $0x80000048  }
0xbb: {  	_ =	swait.ge [sflag:s29], $0x1  }
0xbc: {  	[sflag:s29] =	ssyncadd.s32 $0xFFFFFFFF  }
0xbd: {  	_ =	strace $0x90000048  }
0xbe: {  	_ =	sfence  }
0xbf: {  	s30 =	sld [smem:$0x0];
	_ =	sdelay $0x2  }
0xc0: {  	s31 =	sshll.u32 s1, $0xD;
	s1 =	sshrl.u32 s1, $0x2  }
0xc1: {  	s3 =	sand.u32 $0x4000, s31;
	s1 =	sadd.s32 s1, s30  }
0xc2: {  	s0 =	sor.u32 s3, s0;
	s1 =	sshll.u32 s1, $0x11  }
0xc3: {  	s0 =	sor.u32 s1, s0  }
0xc4: {  	s0 =	sadd.s32 $0x8F2B, s0  }
0xc5: {  	[sflag:s0] =	ssyncadd.remote.s32 $0x1  }
0xc6: {  	_ =	sfence.sel $0xFFFF  }
0xc7: {  	[dreg:$0x0] =	wrdreg $0xFFFFFFFF;
	(pc) =	sbr.abs _section_cstart, $3  }
0xc8: {  	[dreg:$0x1] =	wrdreg $0xFFFFFFFF  }
0xc9: {  	_ =	task.clear_ibuf [dreg:s11], $0x2FFFF;
	_ =	strace $0x9FFFFFFF  }
0xca: {  	(tm) =	ssettm $0x7FFFFFFF  }
0xcb: {  	_ =	shalt  }
tec
execute0_lowered:
.L_overlay_start_1:
0x0: {  	(tag) =	ssettag $0x1  }
0x1: {  	s0 =	rddreg [dreg:$0x0]  }
0x2: {  	s1 =	rddreg [dreg:$0x1]  }
0x3: {  	s4 =	rddreg [dreg:$0x2]  }
0x4: {  	s5 =	rddreg [dreg:$0x3]  }
0x5: {  	s7 =	rddreg [dreg:$0x4]  }
0x6: {  	s8 =	rddreg [dreg:$0x5];
	s3 =	stileid.u32  }
0x7: {  	s6 =	srdreg.scid;
	s2 =	rddreg [dreg:$0x6]  }
0x8: {  	s15 =	simm.s32 $0x1;
	s9 =	sand.u32 $0x1, s6;
	s10 =	sshll.u32 s3, $0x1  }
0x9: {  	s6 =	simm.s32 $0x0;
	s24 =	sshrl.u32 s3, $0x2;
	s12 =	sadd.s32 $0x800, s8  }
0xa: {  	s14 =	sshll.u32 s3, $0xC;
	p0 =	sgt.u32 s3, $0x7;
	p3 =	sgt.u32 s3, $0xD  }
0xb: {  	s16 =	sor.u32 s9, s10;
	[smem:$0x7FF] =	sst s6;
	s10 =	smul.u32 $0x2F000, s24  }
0xc: {  	s9 =	ssub.s32 $0x2, s9;
	s25 =	sand.u32 $0xC000, s14;
	s11 =	sshll.u32 s16, $0x7  }
0xd: {  	_ =	strace $0x80000047;
	s26 =	sshrl.u32 s9, $0x1;
	s17 =	sadd.s32 $0xFFFFFFF0, s16  }
0xe: {  	s29 =	sshll.u32 s16, $0x4;
	s18 =	sadd.s32 $0xFFFFFFED, s16;
	p4 =	sne.s32 s16, $0x1B  }
0xf: {  	s16 =	simm.s32 $0x9E00;
	s13 =	sand.u32 $0x380, s11;
	s14 =	ssub.s32 s9, s26  }
0x10: {  	s28 =	sadd.s32 $0xFFFFF800, s11;
	s30 =	sadd.s32 $0xFFFFF680, s11;
	s9 =	sand.u32 $0x70, s29  }
0x11: {  	p1 =	sgt.u32 s17, $0x2;
	p2 =	sgt.u32 s18, $0x7;
	s17 =	simm.s32 $0x0  }
.Ltmp0:
0x12: {  	s10 =	sor.u32 s10, s13;
	s13 =	sadd.s32 s25, s8;
	(pc) =	sbr.rel .LBB2_1-.Ltmp0, $4  }
0x13: {  	s8 =	sshrl.u32 s28, $0x3;
	s11 =	smax.u32 s14, $0x1;
	s14 =	simm.s32 $0x5E00  }
0x14: {  	s10 =	sshrl.u32 s10, $0x3;
	s8 =	sadd.s32 s12, s8;
	s31 =	sadd.s32 s9, s13  }
0x15: {  	s13 =	simm.s32 $0x400;
	s7 =	sadd.s32 s7, s10;
	s10 =	sshrl.u32 s30, $0x3  }
0x16: {  	s9 =	sadd.s32 s12, s10;
	s10 =	sadd.s32 $0xE00, s31;
	s12 =	simm.s32 $0x80  }
.LBB2_16:
0x17: {  	v6 =	vadd.f32 $-2.000000000e+00, v6;
	v2 =	vmul.f32 $2.000000030e-01, v2;
	[tilespmem:s18+$0xFFFFFFC0] =	vst v8;
	s31 =	sadd.s32 $0x80, s18  }
0x18: {  	v7 =	vadd.f32 $-2.000000000e+00, v7;
	v1 =	vmul.f32 $2.000000030e-01, v1;
	[tilespmem:s31+$0x30] =	vst v5  }
0x19: {  	v0 =	vmul.f32 $2.000000030e-01, v0;
	[tilespmem:s31+$0xFFFFFFD0] =	vst v6;
	v2 =	vadd.f32 $-2.000000000e+00, v2  }
0x1a: {  	v3 =	vmul.f32 $2.000000030e-01, v3;
	[tilespmem:s31+$0xFFFFFFE0] =	vst v7;
	v1 =	vadd.f32 $-2.000000000e+00, v1  }
0x1b: {  	v4 =	vmul.f32 $2.000000030e-01, v4;
	v0 =	vadd.f32 $-2.000000000e+00, v0;
	[tilespmem:s31+$0xFFFFFFF0] =	vst v2  }
0x1c: {  	v62 =	vadd.f32 $-2.000000000e+00, v3;
	[tilespmem:s31+$0x0] =	vst v1  }
0x1d: {  	v63 =	vadd.f32 $-2.000000000e+00, v4;
	[tilespmem:s31+$0x10] =	vst v0  }
0x1e: {  	[tilespmem:s31+$0x20] =	vst v62  }
0x1f: {  	[tilespmem:s31+$0xFFFFFFC0] =	vst v63  }
.LBB2_17:
0x20: {  	s18 =	simm.s32 @!p3 $0x80  }
0x21: {  	s19 =	simm.s32 @!p3 $0x400;
	s20 =	simm.s32 @!p3 $0xDE00;
	s17 =	sadd.s32 $0x1, s17  }
0x22: {  	[hbm4b:s10+s18] =	stream.strided.scatter @!p3 [tilespmem:s20], [sflag:$0x2], $0x4000, s19, s18, $0x38;
	[tilespmem:$0x11E00] =	vst v63  }
0x23: {  	p5 =	sne.s32 s17, s11  }
.Ltmp1:
0x24: {  	_ = 	snop;
	(pc) =	sbr.rel @!p5 .LBB2_18-.Ltmp1, $4  }
0x25: {  	s18 =	simm.s32 @!p3 $0x2  }
0x26: {  	_ =	swait.ge @!p3 [sflag:s18], $0x4000  }
0x27: {  	[sflag:s18] =	ssyncset.done @!p3 $0x0  }
0x28: {  	[sflag:s18] =	ssyncadd.s32 @!p3 $0xFFFFC000  }
.LBB2_1:
.Ltmp2:
0x29: {  	(pc) =	sbr.rel @p0 .LBB2_5-.Ltmp2, $1  }
0x2a: {  	_ =	sdelay $0x3  }
0x2b: {  	[tilespmem:s6], [sflag:$0x1] =	stream.strided.gather [hbm4b:s7+s12], $0x5E00, s13, s12, $0x38;
	[tilespmem:$0x11E00] =	vst v63  }
0x2c: {  	_ = 	snop  }
0x2d: {  	[tilespmem:s14], [sflag:$0x1] =	stream.linear.gather [hbm4b:s0+s6], $0x4000, $0x38;
	[tilespmem:$0x11E00] =	vst v63  }
0x2e: {  	_ =	swait.ge [sflag:s15], $0x5E00  }
0x2f: {  	[sflag:s15] =	ssyncset.done $0x0  }
0x30: {  	[sflag:s15] =	ssyncadd.s32 $0xFFFFA200  }
0x31: {  	_ =	swait.ge [sflag:s15], $0x4000  }
0x32: {  	[sflag:s15] =	ssyncset.done $0x0  }
0x33: {  	s18 =	simm.s32 $0x5E40;
	[sflag:s15] =	ssyncadd.s32 $0xFFFFC000  }
0x34: {  	v0 =	vld [tilespmem:s18+$0x30]  }
0x35: {  	v1 =	vld [tilespmem:s18+$0xFFFFFFD0]  }
0x36: {  	v2 =	vld [tilespmem:s18+$0xFFFFFFE0]  }
0x37: {  	v3 =	vld [tilespmem:s18+$0xFFFFFFF0]  }
0x38: {  	v4 =	vld [tilespmem:s18+$0x0]  }
0x39: {  	v6 =	vld [tilespmem:s18+$0x10]  }
0x3a: {  	v7 =	vld [tilespmem:s18+$0x20]  }
0x3b: {  	v8 =	vld [tilespmem:s18+$0xFFFFFFC0]  }
0x3c: {  	v9 =	vld.idx.msk [tilespmem:v0+s6+$0x0], $0xffff  }
0x3d: {  	v10 =	vld.idx.msk [tilespmem:v1+s6+$0x0], $0xffff  }
0x3e: {  	v5 =	vld.idx.msk [tilespmem:v2+s6+$0x0], $0xffff  }
0x3f: {  	v3 =	vld.idx.msk [tilespmem:v3+s6+$0x0], $0xffff  }
0x40: {  	v0 =	vld.idx.msk [tilespmem:v4+s6+$0x0], $0xffff  }
0x41: {  	s18 =	simm.s32 $0xDE40;
	v1 =	vld.idx.msk [tilespmem:v6+s6+$0x0], $0xffff  }
0x42: {  	v2 =	vld.idx.msk [tilespmem:v7+s6+$0x0], $0xffff;
	[tilespmem:s18+$0x30] =	vst v9  }
0x43: {  	s19 =	simm.s32 $0x0;
	s20 =	simm.s32 $0x5EC0;
	v4 =	vld.idx.msk [tilespmem:v8+s6+$0x0], $0xffff;
	[tilespmem:s18+$0xFFFFFFD0] =	vst v10  }
.LBB2_3:
0x44: {  	v6 =	vld [tilespmem:s20+$0x30];
	s19 =	sadd.s32 $0x80, s19;
	[tilespmem:s18+$0xFFFFFFE0] =	vst v5  }
0x45: {  	v5 =	vld [tilespmem:s20+$0xFFFFFFD0];
	p5 =	slt.u32 s19, $0x3F80;
	[tilespmem:s18+$0xFFFFFFF0] =	vst v3  }
0x46: {  	v3 =	vld [tilespmem:s20+$0xFFFFFFE0];
	[tilespmem:s18+$0x0] =	vst v0  }
0x47: {  	v0 =	vld [tilespmem:s20+$0xFFFFFFF0];
	[tilespmem:s18+$0x10] =	vst v1  }
0x48: {  	v1 =	vld [tilespmem:s20+$0x0];
	[tilespmem:s18+$0x20] =	vst v2  }
0x49: {  	v2 =	vld [tilespmem:s20+$0x10];
	[tilespmem:s18+$0xFFFFFFC0] =	vst v4  }
0x4a: {  	v4 =	vld [tilespmem:s20+$0x20]  }
0x4b: {  	v7 =	vld [tilespmem:s20+$0xFFFFFFC0]  }
0x4c: {  	v6 =	vld.idx.msk [tilespmem:v6+s6+$0x0], $0xffff  }
0x4d: {  	v8 =	vld.idx.msk [tilespmem:v5+s6+$0x0], $0xffff  }
0x4e: {  	v5 =	vld.idx.msk [tilespmem:v3+s6+$0x0], $0xffff  }
.Ltmp3:
0x4f: {  	v3 =	vld.idx.msk [tilespmem:v0+s6+$0x0], $0xffff;
	(pc) =	sbr.rel @p5 .LBB2_3-.Ltmp3, $4  }
0x50: {  	v0 =	vld.idx.msk [tilespmem:v1+s6+$0x0], $0xffff  }
0x51: {  	s18 =	sadd.s32 $0x80, s18;
	v1 =	vld.idx.msk [tilespmem:v2+s6+$0x0], $0xffff  }
0x52: {  	v2 =	vld.idx.msk [tilespmem:v4+s6+$0x0], $0xffff;
	[tilespmem:s18+$0x30] =	vst v6  }
0x53: {  	s20 =	sadd.s32 $0x80, s20;
	v4 =	vld.idx.msk [tilespmem:v7+s6+$0x0], $0xffff;
	[tilespmem:s18+$0xFFFFFFD0] =	vst v8  }
0x54: {  	[tilespmem:s18+$0xFFFFFFE0] =	vst v5  }
0x55: {  	[tilespmem:s18+$0xFFFFFFF0] =	vst v3  }
0x56: {  	[tilespmem:s18+$0x0] =	vst v0  }
0x57: {  	[tilespmem:s18+$0x10] =	vst v1  }
0x58: {  	[tilespmem:s18+$0x20] =	vst v2  }
0x59: {  	[tilespmem:s18+$0xFFFFFFC0] =	vst v4  }
.LBB2_5:
.Ltmp4:
0x5a: {  	(pc) =	sbr.rel @p1 .LBB2_9-.Ltmp4, $1  }
0x5b: {  	_ =	sdelay $0x3  }
0x5c: {  	[tilespmem:s6], [sflag:$0x1] =	stream.strided.gather [hbm4b:s8+s12], $0x600, s13, s12, $0x38;
	[tilespmem:$0x11E00] =	vst v63  }
0x5d: {  	_ = 	snop  }
0x5e: {  	[tilespmem:s14], [sflag:$0x1] =	stream.linear.gather [hbm4b:s1+s6], $0x4000, $0x38;
	[tilespmem:$0x11E00] =	vst v63  }
0x5f: {  	_ =	swait.ge [sflag:s15], $0x600  }
0x60: {  	[sflag:s15] =	ssyncset.done $0x0  }
0x61: {  	[sflag:s15] =	ssyncadd.s32 $0xFFFFFA00  }
0x62: {  	_ =	swait.ge [sflag:s15], $0x4000  }
0x63: {  	[sflag:s15] =	ssyncset.done $0x0  }
0x64: {  	s18 =	simm.s32 $0x5E40;
	[sflag:s15] =	ssyncadd.s32 $0xFFFFC000  }
0x65: {  	v0 =	vld [tilespmem:s18+$0x30]  }
0x66: {  	v1 =	vld [tilespmem:s18+$0xFFFFFFD0]  }
0x67: {  	v2 =	vld [tilespmem:s18+$0xFFFFFFE0]  }
0x68: {  	v3 =	vld [tilespmem:s18+$0xFFFFFFF0]  }
0x69: {  	v4 =	vld [tilespmem:s18+$0x0]  }
0x6a: {  	v5 =	vld [tilespmem:s18+$0x10];
	v0 =	vadd.s32 $0x5A0, v0  }
0x6b: {  	v1 =	vadd.s32 $0x5A0, v1  }
0x6c: {  	v2 =	vadd.s32 $0x5A0, v2  }
0x6d: {  	v6 =	vld [tilespmem:s18+$0x20];
	v3 =	vadd.s32 $0x5A0, v3  }
0x6e: {  	v8 =	vld [tilespmem:s18+$0xFFFFFFC0];
	v9 =	vadd.s32 $0x5A0, v4  }
0x6f: {  	v10 =	vadd.s32 $0x5A0, v5;
	v7 =	vld.idx.msk [tilespmem:v0+s6+$0x0], $0xffff  }
0x70: {  	v4 =	vld.idx.msk [tilespmem:v1+s6+$0x0], $0xffff  }
0x71: {  	v5 =	vld.idx.msk [tilespmem:v2+s6+$0x0], $0xffff  }
0x72: {  	v3 =	vld.idx.msk [tilespmem:v3+s6+$0x0], $0xffff  }
0x73: {  	v2 =	vld.idx.msk [tilespmem:v9+s6+$0x0], $0xffff  }
0x74: {  	s19 =	simm.s32 $0x0;
	s20 =	simm.s32 $0x5EC0;
	s18 =	simm.s32 $0xDE40;
	v0 =	vadd.s32 $0x5A0, v6;
	v1 =	vadd.s32 $0x5A0, v8;
	v6 =	vld.idx.msk [tilespmem:v10+s6+$0x0], $0xffff  }
.LBB2_7:
0x75: {  	v8 =	vld [tilespmem:s20+$0x30];
	s19 =	sadd.s32 $0x80, s19;
	[tilespmem:s18+$0x30] =	vst v7  }
0x76: {  	v7 =	vld [tilespmem:s20+$0xFFFFFFD0];
	p5 =	slt.u32 s19, $0x3F80;
	[tilespmem:s18+$0xFFFFFFD0] =	vst v4  }
0x77: {  	v4 =	vld [tilespmem:s20+$0xFFFFFFE0];
	[tilespmem:s18+$0xFFFFFFE0] =	vst v5  }
0x78: {  	v5 =	vld [tilespmem:s20+$0xFFFFFFF0];
	[tilespmem:s18+$0xFFFFFFF0] =	vst v3  }
0x79: {  	v3 =	vld [tilespmem:s20+$0x0];
	[tilespmem:s18+$0x0] =	vst v2  }
0x7a: {  	v2 =	vld [tilespmem:s20+$0x10];
	v8 =	vadd.s32 $0x5A0, v8;
	[tilespmem:s18+$0x10] =	vst v6  }
0x7b: {  	v6 =	vadd.s32 $0x5A0, v7;
	v9 =	vld [tilespmem:s20+$0x20]  }
0x7c: {  	v10 =	vld [tilespmem:s20+$0xFFFFFFC0];
	v11 =	vadd.s32 $0x5A0, v4  }
0x7d: {  	v12 =	vadd.s32 $0x5A0, v5;
	v13 =	vld.idx.msk [tilespmem:v1+s6+$0x0], $0xffff  }
0x7e: {  	v14 =	vadd.s32 $0x5A0, v3;
	v15 =	vld.idx.msk [tilespmem:v0+s6+$0x0], $0xffff  }
0x7f: {  	v16 =	vadd.s32 $0x5A0, v2;
	v7 =	vld.idx.msk [tilespmem:v8+s6+$0x0], $0xffff  }
.Ltmp5:
0x80: {  	v4 =	vld.idx.msk [tilespmem:v6+s6+$0x0], $0xffff;
	v0 =	vadd.s32 $0x5A0, v9;
	(pc) =	sbr.rel @p5 .LBB2_7-.Ltmp5, $4  }
0x81: {  	v1 =	vadd.s32 $0x5A0, v10;
	v5 =	vld.idx.msk [tilespmem:v11+s6+$0x0], $0xffff  }
0x82: {  	v3 =	vld.idx.msk [tilespmem:v12+s6+$0x0], $0xffff  }
0x83: {  	v2 =	vld.idx.msk [tilespmem:v14+s6+$0x0], $0xffff;
	[tilespmem:s18+$0xFFFFFFC0] =	vst v13  }
0x84: {  	s20 =	sadd.s32 $0x80, s20;
	v6 =	vld.idx.msk [tilespmem:v16+s6+$0x0], $0xffff;
	[tilespmem:s18+$0x20] =	vst v15;
	s18 =	sadd.s32 $0x80, s18  }
0x85: {  	_ =	sdelay $0x2  }
0x86: {  	[tilespmem:s18+$0x30] =	vst v7  }
0x87: {  	[tilespmem:s18+$0xFFFFFFD0] =	vst v4;
	v1 =	vld.idx.msk [tilespmem:v1+s6+$0x0], $0xffff  }
0x88: {  	v0 =	vld.idx.msk [tilespmem:v0+s6+$0x0], $0xffff;
	[tilespmem:s18+$0xFFFFFFE0] =	vst v5  }
0x89: {  	[tilespmem:s18+$0xFFFFFFF0] =	vst v3  }
0x8a: {  	[tilespmem:s18+$0x0] =	vst v2  }
0x8b: {  	[tilespmem:s18+$0x10] =	vst v6  }
0x8c: {  	[tilespmem:s18+$0xFFFFFFC0] =	vst v1  }
0x8d: {  	[tilespmem:s18+$0x20] =	vst v0  }
.LBB2_9:
.Ltmp6:
0x8e: {  	(pc) =	sbr.rel @p2 .LBB2_13-.Ltmp6, $1  }
0x8f: {  	_ =	sdelay $0x3  }
0x90: {  	[tilespmem:s6], [sflag:$0x1] =	stream.strided.gather [hbm4b:s9+s12], $0x600, s13, s12, $0x38;
	[tilespmem:$0x11E00] =	vst v63  }
0x91: {  	_ = 	snop  }
0x92: {  	[tilespmem:s14], [sflag:$0x1] =	stream.linear.gather [hbm4b:s4+s6], $0x4000, $0x38;
	[tilespmem:$0x11E00] =	vst v63  }
0x93: {  	_ =	swait.ge [sflag:s15], $0x600  }
0x94: {  	[sflag:s15] =	ssyncset.done $0x0  }
0x95: {  	[sflag:s15] =	ssyncadd.s32 $0xFFFFFA00  }
0x96: {  	_ =	swait.ge [sflag:s15], $0x4000  }
0x97: {  	[sflag:s15] =	ssyncset.done $0x0  }
0x98: {  	s18 =	simm.s32 $0x5E40;
	[sflag:s15] =	ssyncadd.s32 $0xFFFFC000  }
0x99: {  	v0 =	vld [tilespmem:s18+$0x30]  }
0x9a: {  	v1 =	vld [tilespmem:s18+$0xFFFFFFD0]  }
0x9b: {  	v2 =	vld [tilespmem:s18+$0xFFFFFFE0]  }
0x9c: {  	v3 =	vld [tilespmem:s18+$0xFFFFFFF0]  }
0x9d: {  	v4 =	vld [tilespmem:s18+$0x0]  }
0x9e: {  	v6 =	vld [tilespmem:s18+$0x10]  }
0x9f: {  	v7 =	vld [tilespmem:s18+$0x20]  }
0xa0: {  	v8 =	vld [tilespmem:s18+$0xFFFFFFC0]  }
0xa1: {  	v9 =	vld.idx.msk [tilespmem:v0+s6+$0x0], $0xffff  }
0xa2: {  	v10 =	vld.idx.msk [tilespmem:v1+s6+$0x0], $0xffff  }
0xa3: {  	v5 =	vld.idx.msk [tilespmem:v2+s6+$0x0], $0xffff  }
0xa4: {  	v3 =	vld.idx.msk [tilespmem:v3+s6+$0x0], $0xffff  }
0xa5: {  	v0 =	vld.idx.msk [tilespmem:v4+s6+$0x0], $0xffff  }
0xa6: {  	s18 =	simm.s32 $0xDE40;
	v1 =	vld.idx.msk [tilespmem:v6+s6+$0x0], $0xffff  }
0xa7: {  	v2 =	vld.idx.msk [tilespmem:v7+s6+$0x0], $0xffff;
	[tilespmem:s18+$0x30] =	vst v9  }
0xa8: {  	s19 =	simm.s32 $0x0;
	s20 =	simm.s32 $0x5EC0;
	v4 =	vld.idx.msk [tilespmem:v8+s6+$0x0], $0xffff;
	[tilespmem:s18+$0xFFFFFFD0] =	vst v10  }
.LBB2_11:
0xa9: {  	v6 =	vld [tilespmem:s20+$0x30];
	s19 =	sadd.s32 $0x80, s19;
	[tilespmem:s18+$0xFFFFFFE0] =	vst v5  }
0xaa: {  	v5 =	vld [tilespmem:s20+$0xFFFFFFD0];
	p5 =	slt.u32 s19, $0x3F80;
	[tilespmem:s18+$0xFFFFFFF0] =	vst v3  }
0xab: {  	v3 =	vld [tilespmem:s20+$0xFFFFFFE0];
	[tilespmem:s18+$0x0] =	vst v0  }
0xac: {  	v0 =	vld [tilespmem:s20+$0xFFFFFFF0];
	[tilespmem:s18+$0x10] =	vst v1  }
0xad: {  	v1 =	vld [tilespmem:s20+$0x0];
	[tilespmem:s18+$0x20] =	vst v2  }
0xae: {  	v2 =	vld [tilespmem:s20+$0x10];
	[tilespmem:s18+$0xFFFFFFC0] =	vst v4  }
0xaf: {  	v4 =	vld [tilespmem:s20+$0x20]  }
0xb0: {  	v7 =	vld [tilespmem:s20+$0xFFFFFFC0]  }
0xb1: {  	v6 =	vld.idx.msk [tilespmem:v6+s6+$0x0], $0xffff  }
0xb2: {  	v8 =	vld.idx.msk [tilespmem:v5+s6+$0x0], $0xffff  }
0xb3: {  	v5 =	vld.idx.msk [tilespmem:v3+s6+$0x0], $0xffff  }
.Ltmp7:
0xb4: {  	v3 =	vld.idx.msk [tilespmem:v0+s6+$0x0], $0xffff;
	(pc) =	sbr.rel @p5 .LBB2_11-.Ltmp7, $4  }
0xb5: {  	v0 =	vld.idx.msk [tilespmem:v1+s6+$0x0], $0xffff  }
0xb6: {  	s18 =	sadd.s32 $0x80, s18;
	v1 =	vld.idx.msk [tilespmem:v2+s6+$0x0], $0xffff  }
0xb7: {  	v2 =	vld.idx.msk [tilespmem:v4+s6+$0x0], $0xffff;
	[tilespmem:s18+$0x30] =	vst v6  }
0xb8: {  	s20 =	sadd.s32 $0x80, s20;
	v4 =	vld.idx.msk [tilespmem:v7+s6+$0x0], $0xffff;
	[tilespmem:s18+$0xFFFFFFD0] =	vst v8  }
0xb9: {  	[tilespmem:s18+$0xFFFFFFE0] =	vst v5  }
.Ltmp8:
0xba: {  	[tilespmem:s18+$0xFFFFFFF0] =	vst v3;
	(pc) =	sbr.rel .LBB2_17-.Ltmp8, $4  }
0xbb: {  	[tilespmem:s18+$0x0] =	vst v0  }
0xbc: {  	[tilespmem:s18+$0x10] =	vst v1  }
0xbd: {  	[tilespmem:s18+$0x20] =	vst v2  }
0xbe: {  	[tilespmem:s18+$0xFFFFFFC0] =	vst v4  }
.LBB2_13:
.Ltmp9:
0xbf: {  	(pc) =	sbr.rel @p4 .LBB2_17-.Ltmp9, $1  }
0xc0: {  	_ =	sdelay $0x3  }
0xc1: {  	[tilespmem:s16], [sflag:$0x1] =	stream.linear.gather [hbm4b:s5+s6], $0x4000, $0x38;
	[tilespmem:$0x11E00] =	vst v63  }
0xc2: {  	_ =	swait.ge [sflag:s15], $0x4000  }
0xc3: {  	[sflag:s15] =	ssyncset.done $0x0  }
0xc4: {  	s18 =	simm.s32 $0x9E40;
	[sflag:s15] =	ssyncadd.s32 $0xFFFFC000  }
0xc5: {  	v0 =	vld [tilespmem:s18+$0x30]  }
0xc6: {  	v1 =	vld [tilespmem:s18+$0xFFFFFFD0]  }
0xc7: {  	v2 =	vld [tilespmem:s18+$0xFFFFFFE0]  }
0xc8: {  	v3 =	vld [tilespmem:s18+$0xFFFFFFF0]  }
0xc9: {  	v4 =	vld [tilespmem:s18+$0x0];
	_ =	sdelay $0x1  }
0xca: {  	v5 =	vld [tilespmem:s18+$0x10];
	v0 =	vmul.f32 $2.000000030e-01, v0  }
0xcb: {  	v6 =	vld [tilespmem:s18+$0x20];
	v1 =	vmul.f32 $2.000000030e-01, v1  }
0xcc: {  	s20 =	simm.s32 $0x9EC0;
	v7 =	vld [tilespmem:s18+$0xFFFFFFC0];
	v2 =	vmul.f32 $2.000000030e-01, v2;
	v0 =	vadd.f32 $-2.000000000e+00, v0  }
0xcd: {  	s18 =	simm.s32 $0xDE40;
	v8 =	vld [tilespmem:s20+$0x30];
	v3 =	vmul.f32 $2.000000030e-01, v3;
	v4 =	vmul.f32 $2.000000030e-01, v4;
	v1 =	vadd.f32 $-2.000000000e+00, v1  }
0xce: {  	v9 =	vld [tilespmem:s20+$0xFFFFFFD0];
	v10 =	vadd.f32 $-2.000000000e+00, v2;
	[tilespmem:s18+$0x30] =	vst v0  }
0xcf: {  	v11 =	vld [tilespmem:s20+$0xFFFFFFE0];
	v4 =	vadd.f32 $-2.000000000e+00, v4;
	[tilespmem:s18+$0xFFFFFFD0] =	vst v1;
	v0 =	vadd.f32 $-2.000000000e+00, v3;
	v3 =	vmul.f32 $2.000000030e-01, v5  }
0xd0: {  	v2 =	vld [tilespmem:s20+$0xFFFFFFF0];
	[tilespmem:s18+$0xFFFFFFE0] =	vst v10;
	v5 =	vmul.f32 $2.000000030e-01, v6  }
0xd1: {  	v7 =	vmul.f32 $2.000000030e-01, v7;
	v1 =	vld [tilespmem:s20+$0x0];
	[tilespmem:s18+$0x0] =	vst v4;
	v10 =	vadd.f32 $-2.000000000e+00, v3  }
0xd2: {  	v12 =	vmul.f32 $2.000000030e-01, v8;
	[tilespmem:s18+$0xFFFFFFF0] =	vst v0;
	v0 =	vld [tilespmem:s20+$0x10];
	v13 =	vadd.f32 $-2.000000000e+00, v5  }
0xd3: {  	v8 =	vadd.f32 $-2.000000000e+00, v7;
	v6 =	vmul.f32 $2.000000030e-01, v9;
	v3 =	vld [tilespmem:s20+$0x20];
	[tilespmem:s18+$0x10] =	vst v10  }
0xd4: {  	s19 =	simm.s32 $0x80;
	v7 =	vmul.f32 $2.000000030e-01, v11;
	v4 =	vld [tilespmem:s20+$0xFFFFFFC0];
	v5 =	vadd.f32 $-2.000000000e+00, v12;
	s20 =	simm.s32 $0x9F40;
	[tilespmem:s18+$0x20] =	vst v13  }
.LBB2_15:
0xd5: {  	v9 =	vld [tilespmem:s20+$0x30];
	s19 =	sadd.s32 $0x80, s19;
	v6 =	vadd.f32 $-2.000000000e+00, v6;
	v2 =	vmul.f32 $2.000000030e-01, v2;
	[tilespmem:s18+$0xFFFFFFC0] =	vst v8;
	s18 =	sadd.s32 $0x80, s18  }
0xd6: {  	v7 =	vadd.f32 $-2.000000000e+00, v7;
	v1 =	vmul.f32 $2.000000030e-01, v1;
	v8 =	vld [tilespmem:s20+$0xFFFFFFD0];
	p5 =	slt.u32 s19, $0x3F80;
	[tilespmem:s18+$0x30] =	vst v5  }
0xd7: {  	v0 =	vmul.f32 $2.000000030e-01, v0;
	v5 =	vld [tilespmem:s20+$0xFFFFFFE0];
	[tilespmem:s18+$0xFFFFFFD0] =	vst v6;
	v6 =	vadd.f32 $-2.000000000e+00, v2  }
.Ltmp10:
0xd8: {  	v3 =	vmul.f32 $2.000000030e-01, v3;
	v2 =	vld [tilespmem:s20+$0xFFFFFFF0];
	[tilespmem:s18+$0xFFFFFFE0] =	vst v7;
	v7 =	vadd.f32 $-2.000000000e+00, v1;
	(pc) =	sbr.rel @p5 .LBB2_15-.Ltmp10, $4  }
0xd9: {  	v4 =	vmul.f32 $2.000000030e-01, v4;
	v10 =	vadd.f32 $-2.000000000e+00, v0;
	v1 =	vld [tilespmem:s20+$0x0];
	[tilespmem:s18+$0xFFFFFFF0] =	vst v6  }
0xda: {  	v11 =	vadd.f32 $-2.000000000e+00, v3;
	v0 =	vld [tilespmem:s20+$0x10];
	v9 =	vmul.f32 $2.000000030e-01, v9;
	[tilespmem:s18+$0x0] =	vst v7  }
0xdb: {  	v6 =	vmul.f32 $2.000000030e-01, v8;
	v3 =	vld [tilespmem:s20+$0x20];
	v8 =	vadd.f32 $-2.000000000e+00, v4;
	[tilespmem:s18+$0x10] =	vst v10  }
0xdc: {  	v4 =	vld [tilespmem:s20+$0xFFFFFFC0];
	v7 =	vmul.f32 $2.000000030e-01, v5;
	v5 =	vadd.f32 $-2.000000000e+00, v9;
	s20 =	sadd.s32 $0x80, s20;
	[tilespmem:s18+$0x20] =	vst v11  }
.Ltmp11:
0xdd: {  	_ = 	snop;
	(pc) =	sbr.rel .LBB2_16-.Ltmp11, $1  }
0xde: {  	_ =	sdelay $0x3  }
.LBB2_18:
0xdf: {  	_ =	sfence.sel $0x180000  }
0xe0: {  	[bflag:$0x0] =	sbarrier.arrive $0xFFFF  }
0xe1: {  	p0 =	sne.s32 s3, $0x0;
	_ =	strace $0x90000047  }
0xe2: {  	s0 =	sadd.s32 @!p0 $0x100000, s2;
	[bflag:$0x2] =	sbarrier.arrive $0xFFFF  }
0xe3: {  	[sflag:s0] =	ssyncadd.tile.s32 @!p0 $0x1;
	_ =	shalt  }
.Lfunc_end2:
_tile_overlayer_lowered:
.L_overlay_start_2:
0xe4: {  	(tag) =	ssettag $0x2  }
0xe5: {  	s0 =	rddreg [dreg:$0x0];
	s2 =	stileid.u32  }
0xe6: {  	s1 =	rddreg [dreg:$0x1];
	p0 =	sne.s32 s2, $0x0  }
0xe7: {  	s3 =	rddreg [dreg:$0x2];
	[bflag:$0x3] =	sbarrier.arrive $0xFFFF;
	s2 =	simm.s32 @!p0 $0x1C02  }
0xe8: {  	[timem:s3], [sflag:s2] =	dma.local @!p0 [hbm:s0], s1  }
0xe9: {  	s0 =	simm.s32 @!p0 $0x2  }
0xea: {  	_ =	swait.ge @!p0 [sflag:s0], s1  }
0xeb: {  	s1 =	ssub.s32 @!p0 $0x0, s1;
	[sflag:s0] =	ssyncset.done @!p0 $0x0  }
0xec: {  	[sflag:s0] =	ssyncadd.s32 @!p0 s1  }
0xed: {  	[bflag:$0x3] =	sbarrier.arrive $0xFFFF  }
0xee: {  	_ =	shalt  }

</sc_bundles>
